<compile_context>
chip_gen: v7x
topology: tpu7x:2x2x1
jax: 0.10.2.dev20260603
libtpu: 0.0.44.dev20260713+nightly
codegen_flags: <defaults>
</compile_context>

<pallas_src>
import functools

import jax
import jax.numpy as jnp
from jax import lax
from jax.experimental import pallas as pl
from jax.experimental.pallas import tpu as pltpu
from jax.experimental.pallas import tpu_sc as plsc

_N = 10000
_NP = 10240
_NC = 2
_NS = 16
_NW = _NC * _NS
_CH = 128
_KC0 = 90
_KC1 = 67
_KCM = max(_KC0, _KC1)


def _sc_mesh():
    return plsc.VectorSubcoreMesh(
        core_axis_name="c", subcore_axis_name="s",
        num_cores=_NC, num_subcores=_NS)

_SC_PARAMS = dict(
    compiler_params=pltpu.CompilerParams(
        needs_layout_passes=False, use_tc_tiling_on_sc=False))


@functools.lru_cache(maxsize=None)
def _deg_kernel():

    @functools.partial(
        pl.kernel,
        out_type=jax.ShapeDtypeStruct((_NW, _NP), jnp.float32),
        mesh=_sc_mesh(),
        scratch_types=[
            pltpu.VMEM((_KCM, _CH), jnp.int32),
            pltpu.VMEM((_NP,), jnp.float32),
        ],
        **_SC_PARAMS,
    )
    def deg_k(dst_hbm, out_hbm, dst_v, deg_v):
        cid = lax.axis_index("c")
        sid = lax.axis_index("s")
        wid = cid * _NS + sid
        nb = jnp.where(cid == 0, _KC0, _KC1)
        pltpu.sync_copy(dst_hbm.at[wid], dst_v)
        zeros16 = jnp.zeros((16,), jnp.float32)

        @pl.loop(0, _NP // 16)
        def _(i):
            deg_v[pl.ds(i * 16, 16)] = zeros16

        ones16 = jnp.ones((16,), jnp.float32)

        @pl.loop(0, nb)
        def _(j):
            for c in range(_CH // 16):
                idx = dst_v[j, pl.ds(c * 16, 16)]
                plsc.addupdate_scatter(deg_v, [idx], ones16)

        pltpu.sync_copy(deg_v, out_hbm.at[wid])

    return deg_k


@functools.lru_cache(maxsize=None)
def _scatter_kernel(feat):
    rpt = _NP // _NS

    @functools.partial(
        pl.kernel,
        out_type=jax.ShapeDtypeStruct((_NC, _NP, feat), jnp.float32),
        mesh=_sc_mesh(),
        scratch_types=[
            pltpu.VMEM((_KCM, _CH), jnp.int32),
            pltpu.VMEM((_KCM, _CH), jnp.int32),
            pltpu.VMEM((_CH, feat), jnp.float32),
            pltpu.VMEM((rpt, feat), jnp.float32),
            pltpu.VMEM_SHARED((_NP, feat), jnp.float32),
            pltpu.SemaphoreType.DMA,
        ],
        **_SC_PARAMS,
    )
    def scat_k(tab_hbm, src_hbm, dst_hbm, out_hbm,
               src_v, dst_v, rows_v, zbuf, acc, gsem):
        cid = lax.axis_index("c")
        sid = lax.axis_index("s")
        wid = cid * _NS + sid
        nb = jnp.where(cid == 0, _KC0, _KC1)
        zeros16 = jnp.zeros((16,), jnp.float32)

        @pl.loop(0, rpt)
        def _(r):
            for c in range(feat // 16):
                zbuf[r, pl.ds(c * 16, 16)] = zeros16

        base = sid * rpt
        pltpu.sync_copy(zbuf, acc.at[pl.ds(base, rpt)])
        pltpu.sync_copy(src_hbm.at[wid], src_v)
        pltpu.sync_copy(dst_hbm.at[wid], dst_v)
        plsc.subcore_barrier()

        @pl.loop(0, nb)
        def _(j):
            pltpu.async_copy(tab_hbm.at[src_v.at[j]], rows_v, gsem).wait()
            pltpu.sync_copy(rows_v, acc.at[dst_v.at[j]], add=True)

        plsc.subcore_barrier()
        pltpu.sync_copy(acc.at[pl.ds(base, rpt)],
                        out_hbm.at[cid, pl.ds(base, rpt)])

    return scat_k


def _tc_mm1(x, w1):

    def body(x_ref, w_ref, o_ref):
        o_ref[0:_N, :] = jnp.dot(x_ref[...], w_ref[...],
                                 preferred_element_type=jnp.float32)
        o_ref[_N:_NP, :] = jnp.zeros((_NP - _N, w_ref.shape[1]),
                                     jnp.float32)

    return pl.pallas_call(
        body,
        out_shape=jax.ShapeDtypeStruct((_NP, 32), jnp.float32),
    )(x, w1)


def _tc_scale1(xw, deg_col):

    def body(xw_ref, d_ref, y_ref, dinv_ref):
        dinv = lax.rsqrt(d_ref[...])
        y_ref[...] = xw_ref[...] * dinv
        dinv_ref[...] = dinv

    return pl.pallas_call(
        body,
        out_shape=[
            jax.ShapeDtypeStruct((_NP, 32), jnp.float32),
            jax.ShapeDtypeStruct((_NP, 1), jnp.float32),
        ],
    )(xw, deg_col)


def _tc_layer2(acc1, y1, dinv, b1_row, scale, w2):

    def body(a_ref, y1_ref, dinv_ref, b_ref, s_ref, w_ref, y2_ref):
        dinv = dinv_ref[...]
        agg = a_ref[0] + a_ref[1] + y1_ref[...]
        h = agg * dinv + b_ref[...]
        h = jnp.maximum(h, 0.0) * s_ref[...]
        y2_ref[...] = jnp.dot(h, w_ref[...],
                              preferred_element_type=jnp.float32) * dinv

    return pl.pallas_call(
        body,
        out_shape=jax.ShapeDtypeStruct((_NP, 64), jnp.float32),
    )(acc1, y1, dinv, b1_row, scale, w2)


def _tc_layer3(acc2, y2, dinv, b2_row):

    def body(a_ref, y2_ref, dinv_ref, b_ref, o_ref):
        z = (a_ref[0] + a_ref[1] + y2_ref[...]) * dinv_ref[...] + b_ref[...]
        o_ref[...] = jnp.where(z > 0, z, 0.01 * z)

    return pl.pallas_call(
        body,
        out_shape=jax.ShapeDtypeStruct((_NP, 64), jnp.float32),
    )(acc2, y2, dinv, b2_row)


def _edge_layout(a):
    t0 = _NS * _KC0 * _CH
    t1 = _NS * _KC1 * _CH
    fill = jnp.full((t0 + t1 - a.shape[0],), _N, jnp.int32)
    flat = jnp.concatenate([a, fill])
    p0 = jnp.pad(flat[:t0].reshape(_NS, _KC0, _CH),
                 ((0, 0), (0, _KCM - _KC0), (0, 0)), constant_values=_N)
    p1 = jnp.pad(flat[t0:].reshape(_NS, _KC1, _CH),
                 ((0, 0), (0, _KCM - _KC1), (0, 0)), constant_values=_N)
    return jnp.concatenate([p0, p1], axis=0)


def kernel(x, edge_index, W1, b1, W2, b2):
    n = x.shape[0]
    e = edge_index.shape[1]
    assert e <= _NS * (_KC0 + _KC1) * _CH

    srcp = _edge_layout(edge_index[0])
    dstp = _edge_layout(edge_index[1])
    mask = jax.random.bernoulli(jax.random.key(42), 0.5, (n, W1.shape[1]))
    scale = jnp.pad(jnp.where(mask, 2.0, 0.0).astype(jnp.float32),
                    ((0, _NP - n), (0, 0)))

    xw1 = _tc_mm1(x, W1)
    degp = _deg_kernel()(dstp)
    deg_col = 1.0 + jnp.sum(degp, axis=0)[:, None]
    y1, dinv = _tc_scale1(xw1, deg_col)
    acc1 = _scatter_kernel(32)(y1, srcp, dstp)
    y2 = _tc_layer2(acc1, y1, dinv, b1.reshape(1, -1), scale, W2)
    acc2 = _scatter_kernel(64)(y2, srcp, dstp)
    out = _tc_layer3(acc2, y2, dinv, b2.reshape(1, -1))
    return out[:n]

# --- scband reference (transcript-rebuilt; emitter-appended) ---
"""Pipeline reference for scband-simple-gcn-3066606649613 (READ-ONLY COPY).

The authoritative reference and input builder live on the scoring server;
editing this copy changes nothing except your own understanding.
"""

import jax, jax.numpy as jnp
import numpy as np

N = 10000
E = 320000
IN_DIM = 128
H_DIM = 32
Z_DIM = 64


def setup_inputs(seed: int = 0) -> dict:
    key = jax.random.key(seed)
    ks = jax.random.split(key, 6)
    x = jax.random.normal(ks[0], (N, IN_DIM), dtype=jnp.float32)
    edge_index = jax.random.randint(ks[1], (2, E), 0, N, dtype=jnp.int32)
    W1 = jax.random.normal(ks[2], (IN_DIM, H_DIM), dtype=jnp.float32) * (1.0 / np.sqrt(IN_DIM))
    b1 = jnp.zeros((H_DIM,), dtype=jnp.float32)
    W2 = jax.random.normal(ks[3], (H_DIM, Z_DIM), dtype=jnp.float32) * (1.0 / np.sqrt(H_DIM))
    b2 = jnp.zeros((Z_DIM,), dtype=jnp.float32)
    return {"x": x, "edge_index": edge_index, "W1": W1, "b1": b1, "W2": W2, "b2": b2}


def _gcn_conv(x, edge_index, W, b):
    # GCNConv with add_self_loops=True and symmetric normalization (PyG semantics)
    src = edge_index[0]
    dst = edge_index[1]
    loop = jnp.arange(N, dtype=src.dtype)
    src = jnp.concatenate([src, loop])
    dst = jnp.concatenate([dst, loop])
    deg = jnp.zeros((N,), dtype=x.dtype).at[dst].add(1.0)
    deg_inv_sqrt = jnp.where(deg > 0, jax.lax.rsqrt(jnp.maximum(deg, 1e-12)), 0.0)
    norm = deg_inv_sqrt[src] * deg_inv_sqrt[dst]
    xw = x @ W
    msg = xw[src] * norm[:, None]
    out = jnp.zeros((N, W.shape[1]), dtype=x.dtype).at[dst].add(msg)
    return out + b


def reference(x, edge_index, W1, b1, W2, b2):
    h = _gcn_conv(x, edge_index, W1, b1)
    h = jax.nn.relu(h)
    # dropout p=0.5, training=True, deterministic fixed key
    mask = jax.random.bernoulli(jax.random.key(42), 0.5, h.shape)
    h = jnp.where(mask, h / 0.5, 0.0)
    z = _gcn_conv(h, edge_index, W2, b2)
    # LeakyReLU (negative_slope=0.01)
    return jnp.where(z > 0, z, 0.01 * z)

if __name__ == "__main__":
    import jax
    _d = setup_inputs()
    print(jax.jit(kernel)(*tuple(_d.values())))

</pallas_src>

<mosaic_0001>
#map = affine_map<(d0, d1) -> (0, 0, 0)>
#map1 = affine_map<(d0, d1) -> (0, 0)>
module attributes {stable_mosaic.version = 14 : i64} {
  func.func @deg_k(%arg0: i32, %arg1: i32, %arg2: memref<32x90x128xi32, #tpu.memory_space<hbm>>, %arg3: memref<32x10240xf32, #tpu.memory_space<hbm>>, %arg4: memref<90x128xi32, #tpu.memory_space<vmem>>, %arg5: memref<10240xf32, #tpu.memory_space<vmem>>) attributes {dimension_semantics = [#tpu.dimension_semantics<core_parallel>, #tpu.dimension_semantics<subcore_parallel>], iteration_bounds = array<i64: 2, 16>, scalar_prefetch = 0 : i64, scratch_operands = 2 : i64, tpu.core_type = #tpu.core_type<sc_vector_subcore>, window_params = [{transform_indices = #map}, {transform_indices = #map1}]} {
    %mul3A = arith.constant 16 : i32
    %mul3A_0 = arith.muli %arg0, %mul3A : i32
    %add3A = arith.addi %mul3A_0, %arg1 : i32
    %eq3A = arith.constant 0 : i32
    %eq3A_1 = arith.cmpi eq, %arg0, %eq3A : i32
    %jit3A = arith.constant 90 : i32
    %jit3A_2 = arith.constant 67 : i32
    %select_n3A = arith.select %eq3A_1, %jit3A, %jit3A_2 : i32
    "tpu.region"() ({
      %run_scoped3A = tpu.sem_alloc : memref<!tpu.dma_semaphore, #tpu.memory_space<semaphore_mem>>
      %dma_start3A = arith.constant 0 : i32
      %dma_start3A_26 = arith.constant 0 : i32
      %dma_start3A_27 = tpu.memref_slice %arg2[%add3A, %dma_start3A, %dma_start3A_26] : memref<32x90x128xi32, #tpu.memory_space<hbm>> -> memref<1x90x128xi32, #tpu.memory_space<hbm>>
      %dma_start3A_28 = tpu.memref_squeeze %dma_start3A_27 : memref<1x90x128xi32, #tpu.memory_space<hbm>> -> memref<90x128xi32, #tpu.memory_space<hbm>>
      %dma_start3A_29 = arith.constant 0 : i32
      %dma_start3A_30 = arith.constant 0 : i32
      %dma_start3A_31 = tpu.memref_slice %arg2[%add3A, %dma_start3A_29, %dma_start3A_30] : memref<32x90x128xi32, #tpu.memory_space<hbm>> -> memref<1x90x128xi32, #tpu.memory_space<hbm>>
      %dma_start3A_32 = tpu.memref_squeeze %dma_start3A_31 : memref<1x90x128xi32, #tpu.memory_space<hbm>> -> memref<90x128xi32, #tpu.memory_space<hbm>>
      tpu.enqueue_dma source(%dma_start3A_32 : memref<90x128xi32, #tpu.memory_space<hbm>>) target(%arg4 : memref<90x128xi32, #tpu.memory_space<vmem>>) target_semaphore(%run_scoped3A : memref<!tpu.dma_semaphore, #tpu.memory_space<semaphore_mem>>)
      %dma_wait3A = arith.constant 0 : i32
      %dma_wait3A_33 = arith.constant 0 : i32
      %dma_wait3A_34 = tpu.memref_slice %arg2[%add3A, %dma_wait3A, %dma_wait3A_33] : memref<32x90x128xi32, #tpu.memory_space<hbm>> -> memref<1x90x128xi32, #tpu.memory_space<hbm>>
      %dma_wait3A_35 = tpu.memref_squeeze %dma_wait3A_34 : memref<1x90x128xi32, #tpu.memory_space<hbm>> -> memref<90x128xi32, #tpu.memory_space<hbm>>
      %dma_wait3A_36 = arith.constant 0 : i32
      %dma_wait3A_37 = arith.constant 0 : i32
      %dma_wait3A_38 = tpu.memref_slice %arg2[%add3A, %dma_wait3A_36, %dma_wait3A_37] : memref<32x90x128xi32, #tpu.memory_space<hbm>> -> memref<1x90x128xi32, #tpu.memory_space<hbm>>
      %dma_wait3A_39 = tpu.memref_squeeze %dma_wait3A_38 : memref<1x90x128xi32, #tpu.memory_space<hbm>> -> memref<90x128xi32, #tpu.memory_space<hbm>>
      tpu.wait_dma2 semaphore(%run_scoped3A : memref<!tpu.dma_semaphore, #tpu.memory_space<semaphore_mem>>) src(%dma_wait3A_39 : memref<90x128xi32, #tpu.memory_space<hbm>>) dst(%arg4 : memref<90x128xi32, #tpu.memory_space<vmem>>)
      tpu.yield
    }) : () -> ()
    %broadcast_in_dim3A = arith.constant 0.000000e+00 : f32
    %broadcast_in_dim3A_3 = vector.broadcast %broadcast_in_dim3A : f32 to vector<16xf32>
    %scan3A = arith.constant 0 : i32
    %scan3A_4 = arith.constant 640 : i32
    %scan3A_5 = arith.addi %scan3A, %scan3A_4 : i32
    %scan3A_6 = arith.constant 1 : i32
    scf.for %scan3A_26 = %scan3A to %scan3A_5 step %scan3A_6  : i32 {
      %mul3A_27 = arith.constant 1 : i32
      %mul3A_28 = arith.muli %scan3A_26, %mul3A_27 : i32
      %add3A_29 = arith.constant 0 : i32
      %add3A_30 = arith.addi %add3A_29, %mul3A_28 : i32
      %mul3A_31 = arith.constant 16 : i32
      %mul3A_32 = arith.muli %add3A_30, %mul3A_31 : i32
      %swap3A = arith.index_cast %mul3A_32 : i32 to index
      %swap3A_33 = tpu.vector_load %arg5[%swap3A] {strides = array<i32>} : memref<10240xf32, #tpu.memory_space<vmem>>, vector<16xf32>,
      tpu.vector_store %arg5[%swap3A], %broadcast_in_dim3A_3 {strides = array<i32>} : memref<10240xf32, #tpu.memory_space<vmem>>, vector<16xf32>,
    }
    %scan3A_7 = arith.constant 640 : i32
    %broadcast_in_dim3A_8 = arith.constant 1.000000e+00 : f32
    %broadcast_in_dim3A_9 = vector.broadcast %broadcast_in_dim3A_8 : f32 to vector<16xf32>
    %sub3A = arith.constant 0 : i32
    %sub3A_10 = arith.subi %select_n3A, %sub3A : i32
    %sub3A_11 = arith.constant 1 : i32
    %sub3A_12 = arith.constant 1 : i32
    %sub3A_13 = arith.subi %sub3A_11, %sub3A_12 : i32
    %add3A_14 = arith.addi %sub3A_10, %sub3A_13 : i32
    %div3A = arith.constant 1 : i32
    %div3A_15 = arith.divsi %add3A_14, %div3A : i32
    %while3A = arith.constant 1 : i32
    %while3A_16 = arith.constant 0 : i32
    %while3A_17 = arith.constant 0 : i32
    %while3A_18 = arith.subi %div3A_15, %while3A_17 : i32
    %while3A_19 = arith.addi %while3A_17, %while3A_18 : i32
    %while3A_20 = arith.constant 1 : i32
    %while3A_21 = arith.divsi %while3A_18, %while3A_20 : i32
    %while3A_22 = arith.muli %while3A_21, %while3A_20 : i32
    %while3A_23 = arith.addi %while3A_17, %while3A_22 : i32
    %while3A_24 = arith.constant 1 : i32
    scf.for %while3A_26 = %while3A_17 to %while3A_23 step %while3A_24  : i32 {
      %mul3A_27 = arith.muli %while3A_26, %while3A : i32
      %add3A_28 = arith.addi %while3A_16, %mul3A_27 : i32
      %get3A = arith.index_cast %add3A_28 : i32 to index
      %get3A_29 = arith.constant 0 : index
      %get3A_30 = tpu.vector_load %arg4[%get3A, %get3A_29] {strides = array<i32>} : memref<90x128xi32, #tpu.memory_space<vmem>>, vector<16xi32>,
      tpu.vector_store_idx %arg5[%get3A_30], %broadcast_in_dim3A_9 {add = true} : memref<10240xf32, #tpu.memory_space<vmem>>[vector<16xi32>], vector<16xf32>,
      %get3A_31 = arith.index_cast %add3A_28 : i32 to index
      %get3A_32 = arith.constant 16 : index
      %get3A_33 = tpu.vector_load %arg4[%get3A_31, %get3A_32] {strides = array<i32>} : memref<90x128xi32, #tpu.memory_space<vmem>>, vector<16xi32>,
      tpu.vector_store_idx %arg5[%get3A_33], %broadcast_in_dim3A_9 {add = true} : memref<10240xf32, #tpu.memory_space<vmem>>[vector<16xi32>], vector<16xf32>,
      %get3A_34 = arith.index_cast %add3A_28 : i32 to index
      %get3A_35 = arith.constant 32 : index
      %get3A_36 = tpu.vector_load %arg4[%get3A_34, %get3A_35] {strides = array<i32>} : memref<90x128xi32, #tpu.memory_space<vmem>>, vector<16xi32>,
      tpu.vector_store_idx %arg5[%get3A_36], %broadcast_in_dim3A_9 {add = true} : memref<10240xf32, #tpu.memory_space<vmem>>[vector<16xi32>], vector<16xf32>,
      %get3A_37 = arith.index_cast %add3A_28 : i32 to index
      %get3A_38 = arith.constant 48 : index
      %get3A_39 = tpu.vector_load %arg4[%get3A_37, %get3A_38] {strides = array<i32>} : memref<90x128xi32, #tpu.memory_space<vmem>>, vector<16xi32>,
      tpu.vector_store_idx %arg5[%get3A_39], %broadcast_in_dim3A_9 {add = true} : memref<10240xf32, #tpu.memory_space<vmem>>[vector<16xi32>], vector<16xf32>,
      %get3A_40 = arith.index_cast %add3A_28 : i32 to index
      %get3A_41 = arith.constant 64 : index
      %get3A_42 = tpu.vector_load %arg4[%get3A_40, %get3A_41] {strides = array<i32>} : memref<90x128xi32, #tpu.memory_space<vmem>>, vector<16xi32>,
      tpu.vector_store_idx %arg5[%get3A_42], %broadcast_in_dim3A_9 {add = true} : memref<10240xf32, #tpu.memory_space<vmem>>[vector<16xi32>], vector<16xf32>,
      %get3A_43 = arith.index_cast %add3A_28 : i32 to index
      %get3A_44 = arith.constant 80 : index
      %get3A_45 = tpu.vector_load %arg4[%get3A_43, %get3A_44] {strides = array<i32>} : memref<90x128xi32, #tpu.memory_space<vmem>>, vector<16xi32>,
      tpu.vector_store_idx %arg5[%get3A_45], %broadcast_in_dim3A_9 {add = true} : memref<10240xf32, #tpu.memory_space<vmem>>[vector<16xi32>], vector<16xf32>,
      %get3A_46 = arith.index_cast %add3A_28 : i32 to index
      %get3A_47 = arith.constant 96 : index
      %get3A_48 = tpu.vector_load %arg4[%get3A_46, %get3A_47] {strides = array<i32>} : memref<90x128xi32, #tpu.memory_space<vmem>>, vector<16xi32>,
      tpu.vector_store_idx %arg5[%get3A_48], %broadcast_in_dim3A_9 {add = true} : memref<10240xf32, #tpu.memory_space<vmem>>[vector<16xi32>], vector<16xf32>,
      %get3A_49 = arith.index_cast %add3A_28 : i32 to index
      %get3A_50 = arith.constant 112 : index
      %get3A_51 = tpu.vector_load %arg4[%get3A_49, %get3A_50] {strides = array<i32>} : memref<90x128xi32, #tpu.memory_space<vmem>>, vector<16xi32>,
      tpu.vector_store_idx %arg5[%get3A_51], %broadcast_in_dim3A_9 {add = true} : memref<10240xf32, #tpu.memory_space<vmem>>[vector<16xi32>], vector<16xf32>,
    }
    %while3A_25 = arith.constant 1 : i32
    scf.for %while3A_26 = %while3A_23 to %while3A_19 step %while3A_25  : i32 {
      %mul3A_27 = arith.muli %while3A_26, %while3A : i32
      %add3A_28 = arith.addi %while3A_16, %mul3A_27 : i32
      %get3A = arith.index_cast %add3A_28 : i32 to index
      %get3A_29 = arith.constant 0 : index
      %get3A_30 = tpu.vector_load %arg4[%get3A, %get3A_29] {strides = array<i32>} : memref<90x128xi32, #tpu.memory_space<vmem>>, vector<16xi32>,
      tpu.vector_store_idx %arg5[%get3A_30], %broadcast_in_dim3A_9 {add = true} : memref<10240xf32, #tpu.memory_space<vmem>>[vector<16xi32>], vector<16xf32>,
      %get3A_31 = arith.index_cast %add3A_28 : i32 to index
      %get3A_32 = arith.constant 16 : index
      %get3A_33 = tpu.vector_load %arg4[%get3A_31, %get3A_32] {strides = array<i32>} : memref<90x128xi32, #tpu.memory_space<vmem>>, vector<16xi32>,
      tpu.vector_store_idx %arg5[%get3A_33], %broadcast_in_dim3A_9 {add = true} : memref<10240xf32, #tpu.memory_space<vmem>>[vector<16xi32>], vector<16xf32>,
      %get3A_34 = arith.index_cast %add3A_28 : i32 to index
      %get3A_35 = arith.constant 32 : index
      %get3A_36 = tpu.vector_load %arg4[%get3A_34, %get3A_35] {strides = array<i32>} : memref<90x128xi32, #tpu.memory_space<vmem>>, vector<16xi32>,
      tpu.vector_store_idx %arg5[%get3A_36], %broadcast_in_dim3A_9 {add = true} : memref<10240xf32, #tpu.memory_space<vmem>>[vector<16xi32>], vector<16xf32>,
      %get3A_37 = arith.index_cast %add3A_28 : i32 to index
      %get3A_38 = arith.constant 48 : index
      %get3A_39 = tpu.vector_load %arg4[%get3A_37, %get3A_38] {strides = array<i32>} : memref<90x128xi32, #tpu.memory_space<vmem>>, vector<16xi32>,
      tpu.vector_store_idx %arg5[%get3A_39], %broadcast_in_dim3A_9 {add = true} : memref<10240xf32, #tpu.memory_space<vmem>>[vector<16xi32>], vector<16xf32>,
      %get3A_40 = arith.index_cast %add3A_28 : i32 to index
      %get3A_41 = arith.constant 64 : index
      %get3A_42 = tpu.vector_load %arg4[%get3A_40, %get3A_41] {strides = array<i32>} : memref<90x128xi32, #tpu.memory_space<vmem>>, vector<16xi32>,
      tpu.vector_store_idx %arg5[%get3A_42], %broadcast_in_dim3A_9 {add = true} : memref<10240xf32, #tpu.memory_space<vmem>>[vector<16xi32>], vector<16xf32>,
      %get3A_43 = arith.index_cast %add3A_28 : i32 to index
      %get3A_44 = arith.constant 80 : index
      %get3A_45 = tpu.vector_load %arg4[%get3A_43, %get3A_44] {strides = array<i32>} : memref<90x128xi32, #tpu.memory_space<vmem>>, vector<16xi32>,
      tpu.vector_store_idx %arg5[%get3A_45], %broadcast_in_dim3A_9 {add = true} : memref<10240xf32, #tpu.memory_space<vmem>>[vector<16xi32>], vector<16xf32>,
      %get3A_46 = arith.index_cast %add3A_28 : i32 to index
      %get3A_47 = arith.constant 96 : index
      %get3A_48 = tpu.vector_load %arg4[%get3A_46, %get3A_47] {strides = array<i32>} : memref<90x128xi32, #tpu.memory_space<vmem>>, vector<16xi32>,
      tpu.vector_store_idx %arg5[%get3A_48], %broadcast_in_dim3A_9 {add = true} : memref<10240xf32, #tpu.memory_space<vmem>>[vector<16xi32>], vector<16xf32>,
      %get3A_49 = arith.index_cast %add3A_28 : i32 to index
      %get3A_50 = arith.constant 112 : index
      %get3A_51 = tpu.vector_load %arg4[%get3A_49, %get3A_50] {strides = array<i32>} : memref<90x128xi32, #tpu.memory_space<vmem>>, vector<16xi32>,
      tpu.vector_store_idx %arg5[%get3A_51], %broadcast_in_dim3A_9 {add = true} : memref<10240xf32, #tpu.memory_space<vmem>>[vector<16xi32>], vector<16xf32>,
    }
    "tpu.region"() ({
      %run_scoped3A = tpu.sem_alloc : memref<!tpu.dma_semaphore, #tpu.memory_space<semaphore_mem>>
      %dma_start3A = arith.constant 0 : i32
      %dma_start3A_26 = tpu.memref_slice %arg3[%add3A, %dma_start3A] : memref<32x10240xf32, #tpu.memory_space<hbm>> -> memref<1x10240xf32, #tpu.memory_space<hbm>>
      %dma_start3A_27 = tpu.memref_squeeze %dma_start3A_26 : memref<1x10240xf32, #tpu.memory_space<hbm>> -> memref<10240xf32, #tpu.memory_space<hbm>>
      %dma_start3A_28 = arith.constant 0 : i32
      %dma_start3A_29 = tpu.memref_slice %arg3[%add3A, %dma_start3A_28] : memref<32x10240xf32, #tpu.memory_space<hbm>> -> memref<1x10240xf32, #tpu.memory_space<hbm>>
      %dma_start3A_30 = tpu.memref_squeeze %dma_start3A_29 : memref<1x10240xf32, #tpu.memory_space<hbm>> -> memref<10240xf32, #tpu.memory_space<hbm>>
      tpu.enqueue_dma source(%arg5 : memref<10240xf32, #tpu.memory_space<vmem>>) target(%dma_start3A_30 : memref<10240xf32, #tpu.memory_space<hbm>>) target_semaphore(%run_scoped3A : memref<!tpu.dma_semaphore, #tpu.memory_space<semaphore_mem>>)
      %dma_wait3A = arith.constant 0 : i32
      %dma_wait3A_31 = tpu.memref_slice %arg3[%add3A, %dma_wait3A] : memref<32x10240xf32, #tpu.memory_space<hbm>> -> memref<1x10240xf32, #tpu.memory_space<hbm>>
      %dma_wait3A_32 = tpu.memref_squeeze %dma_wait3A_31 : memref<1x10240xf32, #tpu.memory_space<hbm>> -> memref<10240xf32, #tpu.memory_space<hbm>>
      %dma_wait3A_33 = arith.constant 0 : i32
      %dma_wait3A_34 = tpu.memref_slice %arg3[%add3A, %dma_wait3A_33] : memref<32x10240xf32, #tpu.memory_space<hbm>> -> memref<1x10240xf32, #tpu.memory_space<hbm>>
      %dma_wait3A_35 = tpu.memref_squeeze %dma_wait3A_34 : memref<1x10240xf32, #tpu.memory_space<hbm>> -> memref<10240xf32, #tpu.memory_space<hbm>>
      tpu.wait_dma2 semaphore(%run_scoped3A : memref<!tpu.dma_semaphore, #tpu.memory_space<semaphore_mem>>) src(%arg5 : memref<10240xf32, #tpu.memory_space<vmem>>) dst(%dma_wait3A_35 : memref<10240xf32, #tpu.memory_space<hbm>>)
      tpu.yield
    }) : () -> ()
    return
  }
}

#map = affine_map<(d0, d1) -> (0, 0)>
#map1 = affine_map<(d0, d1) -> (0, 0, 0)>
module attributes {stable_mosaic.version = 14 : i64} {
  func.func @scat_k(%arg0: i32, %arg1: i32, %arg2: memref<10240x32xf32, #tpu.memory_space<hbm>>, %arg3: memref<32x90x128xi32, #tpu.memory_space<hbm>>, %arg4: memref<32x90x128xi32, #tpu.memory_space<hbm>>, %arg5: memref<2x10240x32xf32, #tpu.memory_space<hbm>>, %arg6: memref<90x128xi32, #tpu.memory_space<vmem>>, %arg7: memref<90x128xi32, #tpu.memory_space<vmem>>, %arg8: memref<128x32xf32, #tpu.memory_space<vmem>>, %arg9: memref<640x32xf32, #tpu.memory_space<vmem>>, %arg10: memref<10240x32xf32, #tpu.memory_space<vmem_shared>>, %arg11: memref<!tpu.dma_semaphore, #tpu.memory_space<semaphore_mem>>) attributes {dimension_semantics = [#tpu.dimension_semantics<core_parallel>, #tpu.dimension_semantics<subcore_parallel>], iteration_bounds = array<i64: 2, 16>, scalar_prefetch = 0 : i64, scratch_operands = 6 : i64, tpu.core_type = #tpu.core_type<sc_vector_subcore>, window_params = [{transform_indices = #map}, {transform_indices = #map1}, {transform_indices = #map1}, {transform_indices = #map1}]} {
    %mul3A = arith.constant 16 : i32
    %mul3A_0 = arith.muli %arg0, %mul3A : i32
    %add3A = arith.addi %mul3A_0, %arg1 : i32
    %eq3A = arith.constant 0 : i32
    %eq3A_1 = arith.cmpi eq, %arg0, %eq3A : i32
    %jit3A = arith.constant 90 : i32
    %jit3A_2 = arith.constant 67 : i32
    %select_n3A = arith.select %eq3A_1, %jit3A, %jit3A_2 : i32
    %broadcast_in_dim3A = arith.constant 0.000000e+00 : f32
    %broadcast_in_dim3A_3 = vector.broadcast %broadcast_in_dim3A : f32 to vector<16xf32>
    %scan3A = arith.constant 0 : i32
    %scan3A_4 = arith.constant 640 : i32
    %scan3A_5 = arith.addi %scan3A, %scan3A_4 : i32
    %scan3A_6 = arith.constant 1 : i32
    scf.for %scan3A_27 = %scan3A to %scan3A_5 step %scan3A_6  : i32 {
      %mul3A_28 = arith.constant 1 : i32
      %mul3A_29 = arith.muli %scan3A_27, %mul3A_28 : i32
      %add3A_30 = arith.constant 0 : i32
      %add3A_31 = arith.addi %add3A_30, %mul3A_29 : i32
      %swap3A = arith.index_cast %add3A_31 : i32 to index
      %swap3A_32 = arith.constant 0 : index
      %swap3A_33 = tpu.vector_load %arg9[%swap3A, %swap3A_32] {strides = array<i32>} : memref<640x32xf32, #tpu.memory_space<vmem>>, vector<16xf32>,
      tpu.vector_store %arg9[%swap3A, %swap3A_32], %broadcast_in_dim3A_3 {strides = array<i32>} : memref<640x32xf32, #tpu.memory_space<vmem>>, vector<16xf32>,
      %swap3A_34 = arith.index_cast %add3A_31 : i32 to index
      %swap3A_35 = arith.constant 16 : index
      %swap3A_36 = tpu.vector_load %arg9[%swap3A_34, %swap3A_35] {strides = array<i32>} : memref<640x32xf32, #tpu.memory_space<vmem>>, vector<16xf32>,
      tpu.vector_store %arg9[%swap3A_34, %swap3A_35], %broadcast_in_dim3A_3 {strides = array<i32>} : memref<640x32xf32, #tpu.memory_space<vmem>>, vector<16xf32>,
    }
    %scan3A_7 = arith.constant 640 : i32
    %mul3A_8 = arith.constant 640 : i32
    %mul3A_9 = arith.muli %arg1, %mul3A_8 : i32
    "tpu.region"() ({
      %run_scoped3A = tpu.sem_alloc : memref<!tpu.dma_semaphore, #tpu.memory_space<semaphore_mem>>
      %dma_start3A = arith.constant 0 : i32
      %dma_start3A_27 = tpu.memref_slice %arg10[%mul3A_9, %dma_start3A] : memref<10240x32xf32, #tpu.memory_space<vmem_shared>> -> memref<640x32xf32, #tpu.memory_space<vmem_shared>>
      %dma_start3A_28 = arith.constant 0 : i32
      %dma_start3A_29 = tpu.memref_slice %arg10[%mul3A_9, %dma_start3A_28] : memref<10240x32xf32, #tpu.memory_space<vmem_shared>> -> memref<640x32xf32, #tpu.memory_space<vmem_shared>>
      tpu.enqueue_dma source(%arg9 : memref<640x32xf32, #tpu.memory_space<vmem>>) target(%dma_start3A_29 : memref<640x32xf32, #tpu.memory_space<vmem_shared>>) target_semaphore(%run_scoped3A : memref<!tpu.dma_semaphore, #tpu.memory_space<semaphore_mem>>)
      %dma_wait3A = arith.constant 0 : i32
      %dma_wait3A_30 = tpu.memref_slice %arg10[%mul3A_9, %dma_wait3A] : memref<10240x32xf32, #tpu.memory_space<vmem_shared>> -> memref<640x32xf32, #tpu.memory_space<vmem_shared>>
      %dma_wait3A_31 = arith.constant 0 : i32
      %dma_wait3A_32 = tpu.memref_slice %arg10[%mul3A_9, %dma_wait3A_31] : memref<10240x32xf32, #tpu.memory_space<vmem_shared>> -> memref<640x32xf32, #tpu.memory_space<vmem_shared>>
      tpu.wait_dma2 semaphore(%run_scoped3A : memref<!tpu.dma_semaphore, #tpu.memory_space<semaphore_mem>>) src(%arg9 : memref<640x32xf32, #tpu.memory_space<vmem>>) dst(%dma_wait3A_32 : memref<640x32xf32, #tpu.memory_space<vmem_shared>>)
      tpu.yield
    }) : () -> ()
    "tpu.region"() ({
      %run_scoped3A = tpu.sem_alloc : memref<!tpu.dma_semaphore, #tpu.memory_space<semaphore_mem>>
      %dma_start3A = arith.constant 0 : i32
      %dma_start3A_27 = arith.constant 0 : i32
      %dma_start3A_28 = tpu.memref_slice %arg3[%add3A, %dma_start3A, %dma_start3A_27] : memref<32x90x128xi32, #tpu.memory_space<hbm>> -> memref<1x90x128xi32, #tpu.memory_space<hbm>>
      %dma_start3A_29 = tpu.memref_squeeze %dma_start3A_28 : memref<1x90x128xi32, #tpu.memory_space<hbm>> -> memref<90x128xi32, #tpu.memory_space<hbm>>
      %dma_start3A_30 = arith.constant 0 : i32
      %dma_start3A_31 = arith.constant 0 : i32
      %dma_start3A_32 = tpu.memref_slice %arg3[%add3A, %dma_start3A_30, %dma_start3A_31] : memref<32x90x128xi32, #tpu.memory_space<hbm>> -> memref<1x90x128xi32, #tpu.memory_space<hbm>>
      %dma_start3A_33 = tpu.memref_squeeze %dma_start3A_32 : memref<1x90x128xi32, #tpu.memory_space<hbm>> -> memref<90x128xi32, #tpu.memory_space<hbm>>
      tpu.enqueue_dma source(%dma_start3A_33 : memref<90x128xi32, #tpu.memory_space<hbm>>) target(%arg6 : memref<90x128xi32, #tpu.memory_space<vmem>>) target_semaphore(%run_scoped3A : memref<!tpu.dma_semaphore, #tpu.memory_space<semaphore_mem>>)
      %dma_wait3A = arith.constant 0 : i32
      %dma_wait3A_34 = arith.constant 0 : i32
      %dma_wait3A_35 = tpu.memref_slice %arg3[%add3A, %dma_wait3A, %dma_wait3A_34] : memref<32x90x128xi32, #tpu.memory_space<hbm>> -> memref<1x90x128xi32, #tpu.memory_space<hbm>>
      %dma_wait3A_36 = tpu.memref_squeeze %dma_wait3A_35 : memref<1x90x128xi32, #tpu.memory_space<hbm>> -> memref<90x128xi32, #tpu.memory_space<hbm>>
      %dma_wait3A_37 = arith.constant 0 : i32
      %dma_wait3A_38 = arith.constant 0 : i32
      %dma_wait3A_39 = tpu.memref_slice %arg3[%add3A, %dma_wait3A_37, %dma_wait3A_38] : memref<32x90x128xi32, #tpu.memory_space<hbm>> -> memref<1x90x128xi32, #tpu.memory_space<hbm>>
      %dma_wait3A_40 = tpu.memref_squeeze %dma_wait3A_39 : memref<1x90x128xi32, #tpu.memory_space<hbm>> -> memref<90x128xi32, #tpu.memory_space<hbm>>
      tpu.wait_dma2 semaphore(%run_scoped3A : memref<!tpu.dma_semaphore, #tpu.memory_space<semaphore_mem>>) src(%dma_wait3A_40 : memref<90x128xi32, #tpu.memory_space<hbm>>) dst(%arg6 : memref<90x128xi32, #tpu.memory_space<vmem>>)
      tpu.yield
    }) : () -> ()
    "tpu.region"() ({
      %run_scoped3A = tpu.sem_alloc : memref<!tpu.dma_semaphore, #tpu.memory_space<semaphore_mem>>
      %dma_start3A = arith.constant 0 : i32
      %dma_start3A_27 = arith.constant 0 : i32
      %dma_start3A_28 = tpu.memref_slice %arg4[%add3A, %dma_start3A, %dma_start3A_27] : memref<32x90x128xi32, #tpu.memory_space<hbm>> -> memref<1x90x128xi32, #tpu.memory_space<hbm>>
      %dma_start3A_29 = tpu.memref_squeeze %dma_start3A_28 : memref<1x90x128xi32, #tpu.memory_space<hbm>> -> memref<90x128xi32, #tpu.memory_space<hbm>>
      %dma_start3A_30 = arith.constant 0 : i32
      %dma_start3A_31 = arith.constant 0 : i32
      %dma_start3A_32 = tpu.memref_slice %arg4[%add3A, %dma_start3A_30, %dma_start3A_31] : memref<32x90x128xi32, #tpu.memory_space<hbm>> -> memref<1x90x128xi32, #tpu.memory_space<hbm>>
      %dma_start3A_33 = tpu.memref_squeeze %dma_start3A_32 : memref<1x90x128xi32, #tpu.memory_space<hbm>> -> memref<90x128xi32, #tpu.memory_space<hbm>>
      tpu.enqueue_dma source(%dma_start3A_33 : memref<90x128xi32, #tpu.memory_space<hbm>>) target(%arg7 : memref<90x128xi32, #tpu.memory_space<vmem>>) target_semaphore(%run_scoped3A : memref<!tpu.dma_semaphore, #tpu.memory_space<semaphore_mem>>)
      %dma_wait3A = arith.constant 0 : i32
      %dma_wait3A_34 = arith.constant 0 : i32
      %dma_wait3A_35 = tpu.memref_slice %arg4[%add3A, %dma_wait3A, %dma_wait3A_34] : memref<32x90x128xi32, #tpu.memory_space<hbm>> -> memref<1x90x128xi32, #tpu.memory_space<hbm>>
      %dma_wait3A_36 = tpu.memref_squeeze %dma_wait3A_35 : memref<1x90x128xi32, #tpu.memory_space<hbm>> -> memref<90x128xi32, #tpu.memory_space<hbm>>
      %dma_wait3A_37 = arith.constant 0 : i32
      %dma_wait3A_38 = arith.constant 0 : i32
      %dma_wait3A_39 = tpu.memref_slice %arg4[%add3A, %dma_wait3A_37, %dma_wait3A_38] : memref<32x90x128xi32, #tpu.memory_space<hbm>> -> memref<1x90x128xi32, #tpu.memory_space<hbm>>
      %dma_wait3A_40 = tpu.memref_squeeze %dma_wait3A_39 : memref<1x90x128xi32, #tpu.memory_space<hbm>> -> memref<90x128xi32, #tpu.memory_space<hbm>>
      tpu.wait_dma2 semaphore(%run_scoped3A : memref<!tpu.dma_semaphore, #tpu.memory_space<semaphore_mem>>) src(%dma_wait3A_40 : memref<90x128xi32, #tpu.memory_space<hbm>>) dst(%arg7 : memref<90x128xi32, #tpu.memory_space<vmem>>)
      tpu.yield
    }) : () -> ()
    %barrier3A = arith.constant 0 : index
    tpu.barrier barrier_id(%barrier3A)
    %sub3A = arith.constant 0 : i32
    %sub3A_10 = arith.subi %select_n3A, %sub3A : i32
    %sub3A_11 = arith.constant 1 : i32
    %sub3A_12 = arith.constant 1 : i32
    %sub3A_13 = arith.subi %sub3A_11, %sub3A_12 : i32
    %add3A_14 = arith.addi %sub3A_10, %sub3A_13 : i32
    %div3A = arith.constant 1 : i32
    %div3A_15 = arith.divsi %add3A_14, %div3A : i32
    %while3A = arith.constant 1 : i32
    %while3A_16 = arith.constant 0 : i32
    %while3A_17 = arith.constant 0 : i32
    %while3A_18 = arith.subi %div3A_15, %while3A_17 : i32
    %while3A_19 = arith.addi %while3A_17, %while3A_18 : i32
    %while3A_20 = arith.constant 1 : i32
    %while3A_21 = arith.divsi %while3A_18, %while3A_20 : i32
    %while3A_22 = arith.muli %while3A_21, %while3A_20 : i32
    %while3A_23 = arith.addi %while3A_17, %while3A_22 : i32
    %while3A_24 = arith.constant 1 : i32
    scf.for %while3A_27 = %while3A_17 to %while3A_23 step %while3A_24  : i32 {
      %mul3A_28 = arith.muli %while3A_27, %while3A : i32
      %add3A_29 = arith.addi %while3A_16, %mul3A_28 : i32
      %dma_start3A = arith.constant 0 : i32
      %dma_start3A_30 = tpu.memref_slice %arg6[%add3A_29, %dma_start3A] : memref<90x128xi32, #tpu.memory_space<vmem>> -> memref<1x128xi32, #tpu.memory_space<vmem>>
      %dma_start3A_31 = tpu.memref_squeeze %dma_start3A_30 : memref<1x128xi32, #tpu.memory_space<vmem>> -> memref<128xi32, #tpu.memory_space<vmem>>
      %dma_start3A_32 = arith.constant 0 : i32
      %dma_start3A_33 = arith.constant 0 : i32
      %dma_start3A_34 = tpu.memref_slice %arg2[%dma_start3A_32, %dma_start3A_33] : memref<10240x32xf32, #tpu.memory_space<hbm>> -> memref<10240x32xf32, #tpu.memory_space<hbm>>
      tpu.enqueue_indirect_dma source(%dma_start3A_34 : memref<10240x32xf32, #tpu.memory_space<hbm>>) target(%arg8 : memref<128x32xf32, #tpu.memory_space<vmem>>) offsets(%dma_start3A_31 : memref<128xi32, #tpu.memory_space<vmem>>) semaphore(%arg11 : memref<!tpu.dma_semaphore, #tpu.memory_space<semaphore_mem>>)
      %dma_wait3A = arith.constant 0 : i32
      %dma_wait3A_35 = tpu.memref_slice %arg6[%add3A_29, %dma_wait3A] : memref<90x128xi32, #tpu.memory_space<vmem>> -> memref<1x128xi32, #tpu.memory_space<vmem>>
      %dma_wait3A_36 = tpu.memref_squeeze %dma_wait3A_35 : memref<1x128xi32, #tpu.memory_space<vmem>> -> memref<128xi32, #tpu.memory_space<vmem>>
      %dma_wait3A_37 = arith.constant 0 : i32
      %dma_wait3A_38 = arith.constant 0 : i32
      %dma_wait3A_39 = tpu.memref_slice %arg2[%dma_wait3A_37, %dma_wait3A_38] : memref<10240x32xf32, #tpu.memory_space<hbm>> -> memref<10240x32xf32, #tpu.memory_space<hbm>>
      tpu.wait_indirect_dma semaphore(%arg11 : memref<!tpu.dma_semaphore, #tpu.memory_space<semaphore_mem>>) src(%dma_wait3A_39 : memref<10240x32xf32, #tpu.memory_space<hbm>>) dst(%arg8 : memref<128x32xf32, #tpu.memory_space<vmem>>)
      "tpu.region"() ({
        %run_scoped3A = tpu.sem_alloc : memref<!tpu.dma_semaphore, #tpu.memory_space<semaphore_mem>>
        %dma_start3A_40 = arith.constant 0 : i32
        %dma_start3A_41 = tpu.memref_slice %arg7[%add3A_29, %dma_start3A_40] : memref<90x128xi32, #tpu.memory_space<vmem>> -> memref<1x128xi32, #tpu.memory_space<vmem>>
        %dma_start3A_42 = tpu.memref_squeeze %dma_start3A_41 : memref<1x128xi32, #tpu.memory_space<vmem>> -> memref<128xi32, #tpu.memory_space<vmem>>
        %dma_start3A_43 = arith.constant 0 : i32
        %dma_start3A_44 = arith.constant 0 : i32
        %dma_start3A_45 = tpu.memref_slice %arg10[%dma_start3A_43, %dma_start3A_44] : memref<10240x32xf32, #tpu.memory_space<vmem_shared>> -> memref<10240x32xf32, #tpu.memory_space<vmem_shared>>
        tpu.enqueue_indirect_dma source(%arg8 : memref<128x32xf32, #tpu.memory_space<vmem>>) target(%dma_start3A_45 : memref<10240x32xf32, #tpu.memory_space<vmem_shared>>) offsets(%dma_start3A_42 : memref<128xi32, #tpu.memory_space<vmem>>) semaphore(%run_scoped3A : memref<!tpu.dma_semaphore, #tpu.memory_space<semaphore_mem>>) {add = true}
        %dma_wait3A_46 = arith.constant 0 : i32
        %dma_wait3A_47 = tpu.memref_slice %arg7[%add3A_29, %dma_wait3A_46] : memref<90x128xi32, #tpu.memory_space<vmem>> -> memref<1x128xi32, #tpu.memory_space<vmem>>
        %dma_wait3A_48 = tpu.memref_squeeze %dma_wait3A_47 : memref<1x128xi32, #tpu.memory_space<vmem>> -> memref<128xi32, #tpu.memory_space<vmem>>
        %dma_wait3A_49 = arith.constant 0 : i32
        %dma_wait3A_50 = arith.constant 0 : i32
        %dma_wait3A_51 = tpu.memref_slice %arg10[%dma_wait3A_49, %dma_wait3A_50] : memref<10240x32xf32, #tpu.memory_space<vmem_shared>> -> memref<10240x32xf32, #tpu.memory_space<vmem_shared>>
        tpu.wait_indirect_dma semaphore(%run_scoped3A : memref<!tpu.dma_semaphore, #tpu.memory_space<semaphore_mem>>) src(%arg8 : memref<128x32xf32, #tpu.memory_space<vmem>>) dst(%dma_wait3A_51 : memref<10240x32xf32, #tpu.memory_space<vmem_shared>>)
        tpu.yield
      }) : () -> ()
    }
    %while3A_25 = arith.constant 1 : i32
    scf.for %while3A_27 = %while3A_23 to %while3A_19 step %while3A_25  : i32 {
      %mul3A_28 = arith.muli %while3A_27, %while3A : i32
      %add3A_29 = arith.addi %while3A_16, %mul3A_28 : i32
      %dma_start3A = arith.constant 0 : i32
      %dma_start3A_30 = tpu.memref_slice %arg6[%add3A_29, %dma_start3A] : memref<90x128xi32, #tpu.memory_space<vmem>> -> memref<1x128xi32, #tpu.memory_space<vmem>>
      %dma_start3A_31 = tpu.memref_squeeze %dma_start3A_30 : memref<1x128xi32, #tpu.memory_space<vmem>> -> memref<128xi32, #tpu.memory_space<vmem>>
      %dma_start3A_32 = arith.constant 0 : i32
      %dma_start3A_33 = arith.constant 0 : i32
      %dma_start3A_34 = tpu.memref_slice %arg2[%dma_start3A_32, %dma_start3A_33] : memref<10240x32xf32, #tpu.memory_space<hbm>> -> memref<10240x32xf32, #tpu.memory_space<hbm>>
      tpu.enqueue_indirect_dma source(%dma_start3A_34 : memref<10240x32xf32, #tpu.memory_space<hbm>>) target(%arg8 : memref<128x32xf32, #tpu.memory_space<vmem>>) offsets(%dma_start3A_31 : memref<128xi32, #tpu.memory_space<vmem>>) semaphore(%arg11 : memref<!tpu.dma_semaphore, #tpu.memory_space<semaphore_mem>>)
      %dma_wait3A = arith.constant 0 : i32
      %dma_wait3A_35 = tpu.memref_slice %arg6[%add3A_29, %dma_wait3A] : memref<90x128xi32, #tpu.memory_space<vmem>> -> memref<1x128xi32, #tpu.memory_space<vmem>>
      %dma_wait3A_36 = tpu.memref_squeeze %dma_wait3A_35 : memref<1x128xi32, #tpu.memory_space<vmem>> -> memref<128xi32, #tpu.memory_space<vmem>>
      %dma_wait3A_37 = arith.constant 0 : i32
      %dma_wait3A_38 = arith.constant 0 : i32
      %dma_wait3A_39 = tpu.memref_slice %arg2[%dma_wait3A_37, %dma_wait3A_38] : memref<10240x32xf32, #tpu.memory_space<hbm>> -> memref<10240x32xf32, #tpu.memory_space<hbm>>
      tpu.wait_indirect_dma semaphore(%arg11 : memref<!tpu.dma_semaphore, #tpu.memory_space<semaphore_mem>>) src(%dma_wait3A_39 : memref<10240x32xf32, #tpu.memory_space<hbm>>) dst(%arg8 : memref<128x32xf32, #tpu.memory_space<vmem>>)
      "tpu.region"() ({
        %run_scoped3A = tpu.sem_alloc : memref<!tpu.dma_semaphore, #tpu.memory_space<semaphore_mem>>
        %dma_start3A_40 = arith.constant 0 : i32
        %dma_start3A_41 = tpu.memref_slice %arg7[%add3A_29, %dma_start3A_40] : memref<90x128xi32, #tpu.memory_space<vmem>> -> memref<1x128xi32, #tpu.memory_space<vmem>>
        %dma_start3A_42 = tpu.memref_squeeze %dma_start3A_41 : memref<1x128xi32, #tpu.memory_space<vmem>> -> memref<128xi32, #tpu.memory_space<vmem>>
        %dma_start3A_43 = arith.constant 0 : i32
        %dma_start3A_44 = arith.constant 0 : i32
        %dma_start3A_45 = tpu.memref_slice %arg10[%dma_start3A_43, %dma_start3A_44] : memref<10240x32xf32, #tpu.memory_space<vmem_shared>> -> memref<10240x32xf32, #tpu.memory_space<vmem_shared>>
        tpu.enqueue_indirect_dma source(%arg8 : memref<128x32xf32, #tpu.memory_space<vmem>>) target(%dma_start3A_45 : memref<10240x32xf32, #tpu.memory_space<vmem_shared>>) offsets(%dma_start3A_42 : memref<128xi32, #tpu.memory_space<vmem>>) semaphore(%run_scoped3A : memref<!tpu.dma_semaphore, #tpu.memory_space<semaphore_mem>>) {add = true}
        %dma_wait3A_46 = arith.constant 0 : i32
        %dma_wait3A_47 = tpu.memref_slice %arg7[%add3A_29, %dma_wait3A_46] : memref<90x128xi32, #tpu.memory_space<vmem>> -> memref<1x128xi32, #tpu.memory_space<vmem>>
        %dma_wait3A_48 = tpu.memref_squeeze %dma_wait3A_47 : memref<1x128xi32, #tpu.memory_space<vmem>> -> memref<128xi32, #tpu.memory_space<vmem>>
        %dma_wait3A_49 = arith.constant 0 : i32
        %dma_wait3A_50 = arith.constant 0 : i32
        %dma_wait3A_51 = tpu.memref_slice %arg10[%dma_wait3A_49, %dma_wait3A_50] : memref<10240x32xf32, #tpu.memory_space<vmem_shared>> -> memref<10240x32xf32, #tpu.memory_space<vmem_shared>>
        tpu.wait_indirect_dma semaphore(%run_scoped3A : memref<!tpu.dma_semaphore, #tpu.memory_space<semaphore_mem>>) src(%arg8 : memref<128x32xf32, #tpu.memory_space<vmem>>) dst(%dma_wait3A_51 : memref<10240x32xf32, #tpu.memory_space<vmem_shared>>)
        tpu.yield
      }) : () -> ()
    }
    %barrier3A_26 = arith.constant 0 : index
    tpu.barrier barrier_id(%barrier3A_26)
    "tpu.region"() ({
      %run_scoped3A = tpu.sem_alloc : memref<!tpu.dma_semaphore, #tpu.memory_space<semaphore_mem>>
      %dma_start3A = arith.constant 0 : i32
      %dma_start3A_27 = tpu.memref_slice %arg5[%arg0, %mul3A_9, %dma_start3A] : memref<2x10240x32xf32, #tpu.memory_space<hbm>> -> memref<1x640x32xf32, #tpu.memory_space<hbm>>
      %dma_start3A_28 = tpu.memref_squeeze %dma_start3A_27 : memref<1x640x32xf32, #tpu.memory_space<hbm>> -> memref<640x32xf32, #tpu.memory_space<hbm>>
      %dma_start3A_29 = arith.constant 0 : i32
      %dma_start3A_30 = tpu.memref_slice %arg10[%mul3A_9, %dma_start3A_29] : memref<10240x32xf32, #tpu.memory_space<vmem_shared>> -> memref<640x32xf32, #tpu.memory_space<vmem_shared>>
      tpu.enqueue_dma source(%dma_start3A_30 : memref<640x32xf32, #tpu.memory_space<vmem_shared>>) target(%dma_start3A_28 : memref<640x32xf32, #tpu.memory_space<hbm>>) target_semaphore(%run_scoped3A : memref<!tpu.dma_semaphore, #tpu.memory_space<semaphore_mem>>)
      %dma_wait3A = arith.constant 0 : i32
      %dma_wait3A_31 = tpu.memref_slice %arg5[%arg0, %mul3A_9, %dma_wait3A] : memref<2x10240x32xf32, #tpu.memory_space<hbm>> -> memref<1x640x32xf32, #tpu.memory_space<hbm>>
      %dma_wait3A_32 = tpu.memref_squeeze %dma_wait3A_31 : memref<1x640x32xf32, #tpu.memory_space<hbm>> -> memref<640x32xf32, #tpu.memory_space<hbm>>
      %dma_wait3A_33 = arith.constant 0 : i32
      %dma_wait3A_34 = tpu.memref_slice %arg10[%mul3A_9, %dma_wait3A_33] : memref<10240x32xf32, #tpu.memory_space<vmem_shared>> -> memref<640x32xf32, #tpu.memory_space<vmem_shared>>
      tpu.wait_dma2 semaphore(%run_scoped3A : memref<!tpu.dma_semaphore, #tpu.memory_space<semaphore_mem>>) src(%dma_wait3A_34 : memref<640x32xf32, #tpu.memory_space<vmem_shared>>) dst(%dma_wait3A_32 : memref<640x32xf32, #tpu.memory_space<hbm>>)
      tpu.yield
    }) : () -> ()
    return
  }
}

#map = affine_map<(d0, d1) -> (0, 0)>
#map1 = affine_map<(d0, d1) -> (0, 0, 0)>
module attributes {stable_mosaic.version = 14 : i64} {
  func.func @scat_k(%arg0: i32, %arg1: i32, %arg2: memref<10240x64xf32, #tpu.memory_space<hbm>>, %arg3: memref<32x90x128xi32, #tpu.memory_space<hbm>>, %arg4: memref<32x90x128xi32, #tpu.memory_space<hbm>>, %arg5: memref<2x10240x64xf32, #tpu.memory_space<hbm>>, %arg6: memref<90x128xi32, #tpu.memory_space<vmem>>, %arg7: memref<90x128xi32, #tpu.memory_space<vmem>>, %arg8: memref<128x64xf32, #tpu.memory_space<vmem>>, %arg9: memref<640x64xf32, #tpu.memory_space<vmem>>, %arg10: memref<10240x64xf32, #tpu.memory_space<vmem_shared>>, %arg11: memref<!tpu.dma_semaphore, #tpu.memory_space<semaphore_mem>>) attributes {dimension_semantics = [#tpu.dimension_semantics<core_parallel>, #tpu.dimension_semantics<subcore_parallel>], iteration_bounds = array<i64: 2, 16>, scalar_prefetch = 0 : i64, scratch_operands = 6 : i64, tpu.core_type = #tpu.core_type<sc_vector_subcore>, window_params = [{transform_indices = #map}, {transform_indices = #map1}, {transform_indices = #map1}, {transform_indices = #map1}]} {
    %mul3A = arith.constant 16 : i32
    %mul3A_0 = arith.muli %arg0, %mul3A : i32
    %add3A = arith.addi %mul3A_0, %arg1 : i32
    %eq3A = arith.constant 0 : i32
    %eq3A_1 = arith.cmpi eq, %arg0, %eq3A : i32
    %jit3A = arith.constant 90 : i32
    %jit3A_2 = arith.constant 67 : i32
    %select_n3A = arith.select %eq3A_1, %jit3A, %jit3A_2 : i32
    %broadcast_in_dim3A = arith.constant 0.000000e+00 : f32
    %broadcast_in_dim3A_3 = vector.broadcast %broadcast_in_dim3A : f32 to vector<16xf32>
    %scan3A = arith.constant 0 : i32
    %scan3A_4 = arith.constant 640 : i32
    %scan3A_5 = arith.addi %scan3A, %scan3A_4 : i32
    %scan3A_6 = arith.constant 1 : i32
    scf.for %scan3A_27 = %scan3A to %scan3A_5 step %scan3A_6  : i32 {
      %mul3A_28 = arith.constant 1 : i32
      %mul3A_29 = arith.muli %scan3A_27, %mul3A_28 : i32
      %add3A_30 = arith.constant 0 : i32
      %add3A_31 = arith.addi %add3A_30, %mul3A_29 : i32
      %swap3A = arith.index_cast %add3A_31 : i32 to index
      %swap3A_32 = arith.constant 0 : index
      %swap3A_33 = tpu.vector_load %arg9[%swap3A, %swap3A_32] {strides = array<i32>} : memref<640x64xf32, #tpu.memory_space<vmem>>, vector<16xf32>,
      tpu.vector_store %arg9[%swap3A, %swap3A_32], %broadcast_in_dim3A_3 {strides = array<i32>} : memref<640x64xf32, #tpu.memory_space<vmem>>, vector<16xf32>,
      %swap3A_34 = arith.index_cast %add3A_31 : i32 to index
      %swap3A_35 = arith.constant 16 : index
      %swap3A_36 = tpu.vector_load %arg9[%swap3A_34, %swap3A_35] {strides = array<i32>} : memref<640x64xf32, #tpu.memory_space<vmem>>, vector<16xf32>,
      tpu.vector_store %arg9[%swap3A_34, %swap3A_35], %broadcast_in_dim3A_3 {strides = array<i32>} : memref<640x64xf32, #tpu.memory_space<vmem>>, vector<16xf32>,
      %swap3A_37 = arith.index_cast %add3A_31 : i32 to index
      %swap3A_38 = arith.constant 32 : index
      %swap3A_39 = tpu.vector_load %arg9[%swap3A_37, %swap3A_38] {strides = array<i32>} : memref<640x64xf32, #tpu.memory_space<vmem>>, vector<16xf32>,
      tpu.vector_store %arg9[%swap3A_37, %swap3A_38], %broadcast_in_dim3A_3 {strides = array<i32>} : memref<640x64xf32, #tpu.memory_space<vmem>>, vector<16xf32>,
      %swap3A_40 = arith.index_cast %add3A_31 : i32 to index
      %swap3A_41 = arith.constant 48 : index
      %swap3A_42 = tpu.vector_load %arg9[%swap3A_40, %swap3A_41] {strides = array<i32>} : memref<640x64xf32, #tpu.memory_space<vmem>>, vector<16xf32>,
      tpu.vector_store %arg9[%swap3A_40, %swap3A_41], %broadcast_in_dim3A_3 {strides = array<i32>} : memref<640x64xf32, #tpu.memory_space<vmem>>, vector<16xf32>,
    }
    %scan3A_7 = arith.constant 640 : i32
    %mul3A_8 = arith.constant 640 : i32
    %mul3A_9 = arith.muli %arg1, %mul3A_8 : i32
    "tpu.region"() ({
      %run_scoped3A = tpu.sem_alloc : memref<!tpu.dma_semaphore, #tpu.memory_space<semaphore_mem>>
      %dma_start3A = arith.constant 0 : i32
      %dma_start3A_27 = tpu.memref_slice %arg10[%mul3A_9, %dma_start3A] : memref<10240x64xf32, #tpu.memory_space<vmem_shared>> -> memref<640x64xf32, #tpu.memory_space<vmem_shared>>
      %dma_start3A_28 = arith.constant 0 : i32
      %dma_start3A_29 = tpu.memref_slice %arg10[%mul3A_9, %dma_start3A_28] : memref<10240x64xf32, #tpu.memory_space<vmem_shared>> -> memref<640x64xf32, #tpu.memory_space<vmem_shared>>
      tpu.enqueue_dma source(%arg9 : memref<640x64xf32, #tpu.memory_space<vmem>>) target(%dma_start3A_29 : memref<640x64xf32, #tpu.memory_space<vmem_shared>>) target_semaphore(%run_scoped3A : memref<!tpu.dma_semaphore, #tpu.memory_space<semaphore_mem>>)
      %dma_wait3A = arith.constant 0 : i32
      %dma_wait3A_30 = tpu.memref_slice %arg10[%mul3A_9, %dma_wait3A] : memref<10240x64xf32, #tpu.memory_space<vmem_shared>> -> memref<640x64xf32, #tpu.memory_space<vmem_shared>>
      %dma_wait3A_31 = arith.constant 0 : i32
      %dma_wait3A_32 = tpu.memref_slice %arg10[%mul3A_9, %dma_wait3A_31] : memref<10240x64xf32, #tpu.memory_space<vmem_shared>> -> memref<640x64xf32, #tpu.memory_space<vmem_shared>>
      tpu.wait_dma2 semaphore(%run_scoped3A : memref<!tpu.dma_semaphore, #tpu.memory_space<semaphore_mem>>) src(%arg9 : memref<640x64xf32, #tpu.memory_space<vmem>>) dst(%dma_wait3A_32 : memref<640x64xf32, #tpu.memory_space<vmem_shared>>)
      tpu.yield
    }) : () -> ()
    "tpu.region"() ({
      %run_scoped3A = tpu.sem_alloc : memref<!tpu.dma_semaphore, #tpu.memory_space<semaphore_mem>>
      %dma_start3A = arith.constant 0 : i32
      %dma_start3A_27 = arith.constant 0 : i32
      %dma_start3A_28 = tpu.memref_slice %arg3[%add3A, %dma_start3A, %dma_start3A_27] : memref<32x90x128xi32, #tpu.memory_space<hbm>> -> memref<1x90x128xi32, #tpu.memory_space<hbm>>
      %dma_start3A_29 = tpu.memref_squeeze %dma_start3A_28 : memref<1x90x128xi32, #tpu.memory_space<hbm>> -> memref<90x128xi32, #tpu.memory_space<hbm>>
      %dma_start3A_30 = arith.constant 0 : i32
      %dma_start3A_31 = arith.constant 0 : i32
      %dma_start3A_32 = tpu.memref_slice %arg3[%add3A, %dma_start3A_30, %dma_start3A_31] : memref<32x90x128xi32, #tpu.memory_space<hbm>> -> memref<1x90x128xi32, #tpu.memory_space<hbm>>
      %dma_start3A_33 = tpu.memref_squeeze %dma_start3A_32 : memref<1x90x128xi32, #tpu.memory_space<hbm>> -> memref<90x128xi32, #tpu.memory_space<hbm>>
      tpu.enqueue_dma source(%dma_start3A_33 : memref<90x128xi32, #tpu.memory_space<hbm>>) target(%arg6 : memref<90x128xi32, #tpu.memory_space<vmem>>) target_semaphore(%run_scoped3A : memref<!tpu.dma_semaphore, #tpu.memory_space<semaphore_mem>>)
      %dma_wait3A = arith.constant 0 : i32
      %dma_wait3A_34 = arith.constant 0 : i32
      %dma_wait3A_35 = tpu.memref_slice %arg3[%add3A, %dma_wait3A, %dma_wait3A_34] : memref<32x90x128xi32, #tpu.memory_space<hbm>> -> memref<1x90x128xi32, #tpu.memory_space<hbm>>
      %dma_wait3A_36 = tpu.memref_squeeze %dma_wait3A_35 : memref<1x90x128xi32, #tpu.memory_space<hbm>> -> memref<90x128xi32, #tpu.memory_space<hbm>>
      %dma_wait3A_37 = arith.constant 0 : i32
      %dma_wait3A_38 = arith.constant 0 : i32
      %dma_wait3A_39 = tpu.memref_slice %arg3[%add3A, %dma_wait3A_37, %dma_wait3A_38] : memref<32x90x128xi32, #tpu.memory_space<hbm>> -> memref<1x90x128xi32, #tpu.memory_space<hbm>>
      %dma_wait3A_40 = tpu.memref_squeeze %dma_wait3A_39 : memref<1x90x128xi32, #tpu.memory_space<hbm>> -> memref<90x128xi32, #tpu.memory_space<hbm>>
      tpu.wait_dma2 semaphore(%run_scoped3A : memref<!tpu.dma_semaphore, #tpu.memory_space<semaphore_mem>>) src(%dma_wait3A_40 : memref<90x128xi32, #tpu.memory_space<hbm>>) dst(%arg6 : memref<90x128xi32, #tpu.memory_space<vmem>>)
      tpu.yield
    }) : () -> ()
    "tpu.region"() ({
      %run_scoped3A = tpu.sem_alloc : memref<!tpu.dma_semaphore, #tpu.memory_space<semaphore_mem>>
      %dma_start3A = arith.constant 0 : i32
      %dma_start3A_27 = arith.constant 0 : i32
      %dma_start3A_28 = tpu.memref_slice %arg4[%add3A, %dma_start3A, %dma_start3A_27] : memref<32x90x128xi32, #tpu.memory_space<hbm>> -> memref<1x90x128xi32, #tpu.memory_space<hbm>>
      %dma_start3A_29 = tpu.memref_squeeze %dma_start3A_28 : memref<1x90x128xi32, #tpu.memory_space<hbm>> -> memref<90x128xi32, #tpu.memory_space<hbm>>
      %dma_start3A_30 = arith.constant 0 : i32
      %dma_start3A_31 = arith.constant 0 : i32
      %dma_start3A_32 = tpu.memref_slice %arg4[%add3A, %dma_start3A_30, %dma_start3A_31] : memref<32x90x128xi32, #tpu.memory_space<hbm>> -> memref<1x90x128xi32, #tpu.memory_space<hbm>>
      %dma_start3A_33 = tpu.memref_squeeze %dma_start3A_32 : memref<1x90x128xi32, #tpu.memory_space<hbm>> -> memref<90x128xi32, #tpu.memory_space<hbm>>
      tpu.enqueue_dma source(%dma_start3A_33 : memref<90x128xi32, #tpu.memory_space<hbm>>) target(%arg7 : memref<90x128xi32, #tpu.memory_space<vmem>>) target_semaphore(%run_scoped3A : memref<!tpu.dma_semaphore, #tpu.memory_space<semaphore_mem>>)
      %dma_wait3A = arith.constant 0 : i32
      %dma_wait3A_34 = arith.constant 0 : i32
      %dma_wait3A_35 = tpu.memref_slice %arg4[%add3A, %dma_wait3A, %dma_wait3A_34] : memref<32x90x128xi32, #tpu.memory_space<hbm>> -> memref<1x90x128xi32, #tpu.memory_space<hbm>>
      %dma_wait3A_36 = tpu.memref_squeeze %dma_wait3A_35 : memref<1x90x128xi32, #tpu.memory_space<hbm>> -> memref<90x128xi32, #tpu.memory_space<hbm>>
      %dma_wait3A_37 = arith.constant 0 : i32
      %dma_wait3A_38 = arith.constant 0 : i32
      %dma_wait3A_39 = tpu.memref_slice %arg4[%add3A, %dma_wait3A_37, %dma_wait3A_38] : memref<32x90x128xi32, #tpu.memory_space<hbm>> -> memref<1x90x128xi32, #tpu.memory_space<hbm>>
      %dma_wait3A_40 = tpu.memref_squeeze %dma_wait3A_39 : memref<1x90x128xi32, #tpu.memory_space<hbm>> -> memref<90x128xi32, #tpu.memory_space<hbm>>
      tpu.wait_dma2 semaphore(%run_scoped3A : memref<!tpu.dma_semaphore, #tpu.memory_space<semaphore_mem>>) src(%dma_wait3A_40 : memref<90x128xi32, #tpu.memory_space<hbm>>) dst(%arg7 : memref<90x128xi32, #tpu.memory_space<vmem>>)
      tpu.yield
    }) : () -> ()
    %barrier3A = arith.constant 0 : index
    tpu.barrier barrier_id(%barrier3A)
    %sub3A = arith.constant 0 : i32
    %sub3A_10 = arith.subi %select_n3A, %sub3A : i32
    %sub3A_11 = arith.constant 1 : i32
    %sub3A_12 = arith.constant 1 : i32
    %sub3A_13 = arith.subi %sub3A_11, %sub3A_12 : i32
    %add3A_14 = arith.addi %sub3A_10, %sub3A_13 : i32
    %div3A = arith.constant 1 : i32
    %div3A_15 = arith.divsi %add3A_14, %div3A : i32
    %while3A = arith.constant 1 : i32
    %while3A_16 = arith.constant 0 : i32
    %while3A_17 = arith.constant 0 : i32
    %while3A_18 = arith.subi %div3A_15, %while3A_17 : i32
    %while3A_19 = arith.addi %while3A_17, %while3A_18 : i32
    %while3A_20 = arith.constant 1 : i32
    %while3A_21 = arith.divsi %while3A_18, %while3A_20 : i32
    %while3A_22 = arith.muli %while3A_21, %while3A_20 : i32
    %while3A_23 = arith.addi %while3A_17, %while3A_22 : i32
    %while3A_24 = arith.constant 1 : i32
    scf.for %while3A_27 = %while3A_17 to %while3A_23 step %while3A_24  : i32 {
      %mul3A_28 = arith.muli %while3A_27, %while3A : i32
      %add3A_29 = arith.addi %while3A_16, %mul3A_28 : i32
      %dma_start3A = arith.constant 0 : i32
      %dma_start3A_30 = tpu.memref_slice %arg6[%add3A_29, %dma_start3A] : memref<90x128xi32, #tpu.memory_space<vmem>> -> memref<1x128xi32, #tpu.memory_space<vmem>>
      %dma_start3A_31 = tpu.memref_squeeze %dma_start3A_30 : memref<1x128xi32, #tpu.memory_space<vmem>> -> memref<128xi32, #tpu.memory_space<vmem>>
      %dma_start3A_32 = arith.constant 0 : i32
      %dma_start3A_33 = arith.constant 0 : i32
      %dma_start3A_34 = tpu.memref_slice %arg2[%dma_start3A_32, %dma_start3A_33] : memref<10240x64xf32, #tpu.memory_space<hbm>> -> memref<10240x64xf32, #tpu.memory_space<hbm>>
      tpu.enqueue_indirect_dma source(%dma_start3A_34 : memref<10240x64xf32, #tpu.memory_space<hbm>>) target(%arg8 : memref<128x64xf32, #tpu.memory_space<vmem>>) offsets(%dma_start3A_31 : memref<128xi32, #tpu.memory_space<vmem>>) semaphore(%arg11 : memref<!tpu.dma_semaphore, #tpu.memory_space<semaphore_mem>>)
      %dma_wait3A = arith.constant 0 : i32
      %dma_wait3A_35 = tpu.memref_slice %arg6[%add3A_29, %dma_wait3A] : memref<90x128xi32, #tpu.memory_space<vmem>> -> memref<1x128xi32, #tpu.memory_space<vmem>>
      %dma_wait3A_36 = tpu.memref_squeeze %dma_wait3A_35 : memref<1x128xi32, #tpu.memory_space<vmem>> -> memref<128xi32, #tpu.memory_space<vmem>>
      %dma_wait3A_37 = arith.constant 0 : i32
      %dma_wait3A_38 = arith.constant 0 : i32
      %dma_wait3A_39 = tpu.memref_slice %arg2[%dma_wait3A_37, %dma_wait3A_38] : memref<10240x64xf32, #tpu.memory_space<hbm>> -> memref<10240x64xf32, #tpu.memory_space<hbm>>
      tpu.wait_indirect_dma semaphore(%arg11 : memref<!tpu.dma_semaphore, #tpu.memory_space<semaphore_mem>>) src(%dma_wait3A_39 : memref<10240x64xf32, #tpu.memory_space<hbm>>) dst(%arg8 : memref<128x64xf32, #tpu.memory_space<vmem>>)
      "tpu.region"() ({
        %run_scoped3A = tpu.sem_alloc : memref<!tpu.dma_semaphore, #tpu.memory_space<semaphore_mem>>
        %dma_start3A_40 = arith.constant 0 : i32
        %dma_start3A_41 = tpu.memref_slice %arg7[%add3A_29, %dma_start3A_40] : memref<90x128xi32, #tpu.memory_space<vmem>> -> memref<1x128xi32, #tpu.memory_space<vmem>>
        %dma_start3A_42 = tpu.memref_squeeze %dma_start3A_41 : memref<1x128xi32, #tpu.memory_space<vmem>> -> memref<128xi32, #tpu.memory_space<vmem>>
        %dma_start3A_43 = arith.constant 0 : i32
        %dma_start3A_44 = arith.constant 0 : i32
        %dma_start3A_45 = tpu.memref_slice %arg10[%dma_start3A_43, %dma_start3A_44] : memref<10240x64xf32, #tpu.memory_space<vmem_shared>> -> memref<10240x64xf32, #tpu.memory_space<vmem_shared>>
        tpu.enqueue_indirect_dma source(%arg8 : memref<128x64xf32, #tpu.memory_space<vmem>>) target(%dma_start3A_45 : memref<10240x64xf32, #tpu.memory_space<vmem_shared>>) offsets(%dma_start3A_42 : memref<128xi32, #tpu.memory_space<vmem>>) semaphore(%run_scoped3A : memref<!tpu.dma_semaphore, #tpu.memory_space<semaphore_mem>>) {add = true}
        %dma_wait3A_46 = arith.constant 0 : i32
        %dma_wait3A_47 = tpu.memref_slice %arg7[%add3A_29, %dma_wait3A_46] : memref<90x128xi32, #tpu.memory_space<vmem>> -> memref<1x128xi32, #tpu.memory_space<vmem>>
        %dma_wait3A_48 = tpu.memref_squeeze %dma_wait3A_47 : memref<1x128xi32, #tpu.memory_space<vmem>> -> memref<128xi32, #tpu.memory_space<vmem>>
        %dma_wait3A_49 = arith.constant 0 : i32
        %dma_wait3A_50 = arith.constant 0 : i32
        %dma_wait3A_51 = tpu.memref_slice %arg10[%dma_wait3A_49, %dma_wait3A_50] : memref<10240x64xf32, #tpu.memory_space<vmem_shared>> -> memref<10240x64xf32, #tpu.memory_space<vmem_shared>>
        tpu.wait_indirect_dma semaphore(%run_scoped3A : memref<!tpu.dma_semaphore, #tpu.memory_space<semaphore_mem>>) src(%arg8 : memref<128x64xf32, #tpu.memory_space<vmem>>) dst(%dma_wait3A_51 : memref<10240x64xf32, #tpu.memory_space<vmem_shared>>)
        tpu.yield
      }) : () -> ()
    }
    %while3A_25 = arith.constant 1 : i32
    scf.for %while3A_27 = %while3A_23 to %while3A_19 step %while3A_25  : i32 {
      %mul3A_28 = arith.muli %while3A_27, %while3A : i32
      %add3A_29 = arith.addi %while3A_16, %mul3A_28 : i32
      %dma_start3A = arith.constant 0 : i32
      %dma_start3A_30 = tpu.memref_slice %arg6[%add3A_29, %dma_start3A] : memref<90x128xi32, #tpu.memory_space<vmem>> -> memref<1x128xi32, #tpu.memory_space<vmem>>
      %dma_start3A_31 = tpu.memref_squeeze %dma_start3A_30 : memref<1x128xi32, #tpu.memory_space<vmem>> -> memref<128xi32, #tpu.memory_space<vmem>>
      %dma_start3A_32 = arith.constant 0 : i32
      %dma_start3A_33 = arith.constant 0 : i32
      %dma_start3A_34 = tpu.memref_slice %arg2[%dma_start3A_32, %dma_start3A_33] : memref<10240x64xf32, #tpu.memory_space<hbm>> -> memref<10240x64xf32, #tpu.memory_space<hbm>>
      tpu.enqueue_indirect_dma source(%dma_start3A_34 : memref<10240x64xf32, #tpu.memory_space<hbm>>) target(%arg8 : memref<128x64xf32, #tpu.memory_space<vmem>>) offsets(%dma_start3A_31 : memref<128xi32, #tpu.memory_space<vmem>>) semaphore(%arg11 : memref<!tpu.dma_semaphore, #tpu.memory_space<semaphore_mem>>)
      %dma_wait3A = arith.constant 0 : i32
      %dma_wait3A_35 = tpu.memref_slice %arg6[%add3A_29, %dma_wait3A] : memref<90x128xi32, #tpu.memory_space<vmem>> -> memref<1x128xi32, #tpu.memory_space<vmem>>
      %dma_wait3A_36 = tpu.memref_squeeze %dma_wait3A_35 : memref<1x128xi32, #tpu.memory_space<vmem>> -> memref<128xi32, #tpu.memory_space<vmem>>
      %dma_wait3A_37 = arith.constant 0 : i32
      %dma_wait3A_38 = arith.constant 0 : i32
      %dma_wait3A_39 = tpu.memref_slice %arg2[%dma_wait3A_37, %dma_wait3A_38] : memref<10240x64xf32, #tpu.memory_space<hbm>> -> memref<10240x64xf32, #tpu.memory_space<hbm>>
      tpu.wait_indirect_dma semaphore(%arg11 : memref<!tpu.dma_semaphore, #tpu.memory_space<semaphore_mem>>) src(%dma_wait3A_39 : memref<10240x64xf32, #tpu.memory_space<hbm>>) dst(%arg8 : memref<128x64xf32, #tpu.memory_space<vmem>>)
      "tpu.region"() ({
        %run_scoped3A = tpu.sem_alloc : memref<!tpu.dma_semaphore, #tpu.memory_space<semaphore_mem>>
        %dma_start3A_40 = arith.constant 0 : i32
        %dma_start3A_41 = tpu.memref_slice %arg7[%add3A_29, %dma_start3A_40] : memref<90x128xi32, #tpu.memory_space<vmem>> -> memref<1x128xi32, #tpu.memory_space<vmem>>
        %dma_start3A_42 = tpu.memref_squeeze %dma_start3A_41 : memref<1x128xi32, #tpu.memory_space<vmem>> -> memref<128xi32, #tpu.memory_space<vmem>>
        %dma_start3A_43 = arith.constant 0 : i32
        %dma_start3A_44 = arith.constant 0 : i32
        %dma_start3A_45 = tpu.memref_slice %arg10[%dma_start3A_43, %dma_start3A_44] : memref<10240x64xf32, #tpu.memory_space<vmem_shared>> -> memref<10240x64xf32, #tpu.memory_space<vmem_shared>>
        tpu.enqueue_indirect_dma source(%arg8 : memref<128x64xf32, #tpu.memory_space<vmem>>) target(%dma_start3A_45 : memref<10240x64xf32, #tpu.memory_space<vmem_shared>>) offsets(%dma_start3A_42 : memref<128xi32, #tpu.memory_space<vmem>>) semaphore(%run_scoped3A : memref<!tpu.dma_semaphore, #tpu.memory_space<semaphore_mem>>) {add = true}
        %dma_wait3A_46 = arith.constant 0 : i32
        %dma_wait3A_47 = tpu.memref_slice %arg7[%add3A_29, %dma_wait3A_46] : memref<90x128xi32, #tpu.memory_space<vmem>> -> memref<1x128xi32, #tpu.memory_space<vmem>>
        %dma_wait3A_48 = tpu.memref_squeeze %dma_wait3A_47 : memref<1x128xi32, #tpu.memory_space<vmem>> -> memref<128xi32, #tpu.memory_space<vmem>>
        %dma_wait3A_49 = arith.constant 0 : i32
        %dma_wait3A_50 = arith.constant 0 : i32
        %dma_wait3A_51 = tpu.memref_slice %arg10[%dma_wait3A_49, %dma_wait3A_50] : memref<10240x64xf32, #tpu.memory_space<vmem_shared>> -> memref<10240x64xf32, #tpu.memory_space<vmem_shared>>
        tpu.wait_indirect_dma semaphore(%run_scoped3A : memref<!tpu.dma_semaphore, #tpu.memory_space<semaphore_mem>>) src(%arg8 : memref<128x64xf32, #tpu.memory_space<vmem>>) dst(%dma_wait3A_51 : memref<10240x64xf32, #tpu.memory_space<vmem_shared>>)
        tpu.yield
      }) : () -> ()
    }
    %barrier3A_26 = arith.constant 0 : index
    tpu.barrier barrier_id(%barrier3A_26)
    "tpu.region"() ({
      %run_scoped3A = tpu.sem_alloc : memref<!tpu.dma_semaphore, #tpu.memory_space<semaphore_mem>>
      %dma_start3A = arith.constant 0 : i32
      %dma_start3A_27 = tpu.memref_slice %arg5[%arg0, %mul3A_9, %dma_start3A] : memref<2x10240x64xf32, #tpu.memory_space<hbm>> -> memref<1x640x64xf32, #tpu.memory_space<hbm>>
      %dma_start3A_28 = tpu.memref_squeeze %dma_start3A_27 : memref<1x640x64xf32, #tpu.memory_space<hbm>> -> memref<640x64xf32, #tpu.memory_space<hbm>>
      %dma_start3A_29 = arith.constant 0 : i32
      %dma_start3A_30 = tpu.memref_slice %arg10[%mul3A_9, %dma_start3A_29] : memref<10240x64xf32, #tpu.memory_space<vmem_shared>> -> memref<640x64xf32, #tpu.memory_space<vmem_shared>>
      tpu.enqueue_dma source(%dma_start3A_30 : memref<640x64xf32, #tpu.memory_space<vmem_shared>>) target(%dma_start3A_28 : memref<640x64xf32, #tpu.memory_space<hbm>>) target_semaphore(%run_scoped3A : memref<!tpu.dma_semaphore, #tpu.memory_space<semaphore_mem>>)
      %dma_wait3A = arith.constant 0 : i32
      %dma_wait3A_31 = tpu.memref_slice %arg5[%arg0, %mul3A_9, %dma_wait3A] : memref<2x10240x64xf32, #tpu.memory_space<hbm>> -> memref<1x640x64xf32, #tpu.memory_space<hbm>>
      %dma_wait3A_32 = tpu.memref_squeeze %dma_wait3A_31 : memref<1x640x64xf32, #tpu.memory_space<hbm>> -> memref<640x64xf32, #tpu.memory_space<hbm>>
      %dma_wait3A_33 = arith.constant 0 : i32
      %dma_wait3A_34 = tpu.memref_slice %arg10[%mul3A_9, %dma_wait3A_33] : memref<10240x64xf32, #tpu.memory_space<vmem_shared>> -> memref<640x64xf32, #tpu.memory_space<vmem_shared>>
      tpu.wait_dma2 semaphore(%run_scoped3A : memref<!tpu.dma_semaphore, #tpu.memory_space<semaphore_mem>>) src(%dma_wait3A_34 : memref<640x64xf32, #tpu.memory_space<vmem_shared>>) dst(%dma_wait3A_32 : memref<640x64xf32, #tpu.memory_space<hbm>>)
      tpu.yield
    }) : () -> ()
    return
  }
}

module attributes {stable_mosaic.version = 14 : i64} {
  func.func @body(%arg0: memref<10000x128xf32, #tpu.memory_space<vmem>>, %arg1: memref<128x32xf32, #tpu.memory_space<vmem>>, %arg2: memref<10240x32xf32, #tpu.memory_space<vmem>>) attributes {dimension_semantics = [], scalar_prefetch = 0 : i64, scratch_operands = 0 : i64, tpu.core_type = #tpu.core_type<tc>} {
    %get3A = arith.constant 0 : index
    %get3A_0 = arith.constant 0 : index
    %get3A_1 = vector.load %arg0[%get3A, %get3A_0] : memref<10000x128xf32, #tpu.memory_space<vmem>>, vector<10000x128xf32>
    %get3A_2 = arith.constant 0 : index
    %get3A_3 = arith.constant 0 : index
    %get3A_4 = vector.load %arg1[%get3A_2, %get3A_3] : memref<128x32xf32, #tpu.memory_space<vmem>>, vector<128x32xf32>
    %dot_general3A = arith.constant dense<0.000000e+00> : vector<10000x32xf32>
    %dot_general3A_5 = tpu.matmul %get3A_1, %get3A_4, %dot_general3A {dimension_numbers = #tpu.dot_dimension_numbers<[1], [0], [0], [1], [0, 0, 1, 1], [], []>, transpose_lhs_hint = false} : vector<10000x128xf32>, vector<128x32xf32>, vector<10000x32xf32> -> vector<10000x32xf32>
    %swap3A = arith.constant 0 : index
    %swap3A_6 = arith.constant 0 : index
    %swap3A_7 = vector.load %arg2[%swap3A, %swap3A_6] : memref<10240x32xf32, #tpu.memory_space<vmem>>, vector<10000x32xf32>
    tpu.vector_store %arg2[%swap3A, %swap3A_6], %dot_general3A_5 {strides = array<i32>} : memref<10240x32xf32, #tpu.memory_space<vmem>>, vector<10000x32xf32>,
    %broadcast_in_dim3A = arith.constant 0.000000e+00 : f32
    %broadcast_in_dim3A_8 = vector.broadcast %broadcast_in_dim3A : f32 to vector<240x32xf32>
    %swap3A_9 = arith.constant 10000 : index
    %swap3A_10 = arith.constant 0 : index
    %swap3A_11 = vector.load %arg2[%swap3A_9, %swap3A_10] : memref<10240x32xf32, #tpu.memory_space<vmem>>, vector<240x32xf32>
    tpu.vector_store %arg2[%swap3A_9, %swap3A_10], %broadcast_in_dim3A_8 {strides = array<i32>} : memref<10240x32xf32, #tpu.memory_space<vmem>>, vector<240x32xf32>,
    return
  }
}

module attributes {stable_mosaic.version = 14 : i64} {
  func.func @body(%arg0: memref<10240x32xf32, #tpu.memory_space<vmem>>, %arg1: memref<10240x1xf32, #tpu.memory_space<vmem>>, %arg2: memref<10240x32xf32, #tpu.memory_space<vmem>>, %arg3: memref<10240x1xf32, #tpu.memory_space<vmem>>) attributes {dimension_semantics = [], scalar_prefetch = 0 : i64, scratch_operands = 0 : i64, tpu.core_type = #tpu.core_type<tc>} {
    %get3A = arith.constant 0 : index
    %get3A_0 = arith.constant 0 : index
    %get3A_1 = vector.load %arg1[%get3A, %get3A_0] : memref<10240x1xf32, #tpu.memory_space<vmem>>, vector<10240x1xf32>
    %rsqrt3A = math.rsqrt %get3A_1 : vector<10240x1xf32>
    %get3A_2 = arith.constant 0 : index
    %get3A_3 = arith.constant 0 : index
    %get3A_4 = vector.load %arg0[%get3A_2, %get3A_3] : memref<10240x32xf32, #tpu.memory_space<vmem>>, vector<10240x32xf32>
    %mul3A = vector.broadcast %rsqrt3A : vector<10240x1xf32> to vector<10240x32xf32>
    %mul3A_5 = arith.mulf %get3A_4, %mul3A : vector<10240x32xf32>
    %swap3A = arith.constant 0 : index
    %swap3A_6 = arith.constant 0 : index
    %swap3A_7 = vector.load %arg2[%swap3A, %swap3A_6] : memref<10240x32xf32, #tpu.memory_space<vmem>>, vector<10240x32xf32>
    tpu.vector_store %arg2[%swap3A, %swap3A_6], %mul3A_5 {strides = array<i32>} : memref<10240x32xf32, #tpu.memory_space<vmem>>, vector<10240x32xf32>,
    %swap3A_8 = arith.constant 0 : index
    %swap3A_9 = arith.constant 0 : index
    %swap3A_10 = vector.load %arg3[%swap3A_8, %swap3A_9] : memref<10240x1xf32, #tpu.memory_space<vmem>>, vector<10240x1xf32>
    tpu.vector_store %arg3[%swap3A_8, %swap3A_9], %rsqrt3A {strides = array<i32>} : memref<10240x1xf32, #tpu.memory_space<vmem>>, vector<10240x1xf32>,
    return
  }
}

module attributes {stable_mosaic.version = 14 : i64} {
  func.func @body(%arg0: memref<2x10240x32xf32, #tpu.memory_space<vmem>>, %arg1: memref<10240x32xf32, #tpu.memory_space<vmem>>, %arg2: memref<10240x1xf32, #tpu.memory_space<vmem>>, %arg3: memref<1x32xf32, #tpu.memory_space<vmem>>, %arg4: memref<10240x32xf32, #tpu.memory_space<vmem>>, %arg5: memref<32x64xf32, #tpu.memory_space<vmem>>, %arg6: memref<10240x64xf32, #tpu.memory_space<vmem>>) attributes {dimension_semantics = [], scalar_prefetch = 0 : i64, scratch_operands = 0 : i64, tpu.core_type = #tpu.core_type<tc>} {
    %get3A = arith.constant 0 : index
    %get3A_0 = arith.constant 0 : index
    %get3A_1 = vector.load %arg2[%get3A, %get3A_0] : memref<10240x1xf32, #tpu.memory_space<vmem>>, vector<10240x1xf32>
    %get3A_2 = arith.constant 0 : index
    %get3A_3 = arith.constant 0 : index
    %get3A_4 = arith.constant 0 : index
    %get3A_5 = vector.load %arg0[%get3A_2, %get3A_3, %get3A_4] : memref<2x10240x32xf32, #tpu.memory_space<vmem>>, vector<1x10240x32xf32>
    %get3A_6 = vector.shape_cast %get3A_5 : vector<1x10240x32xf32> to vector<10240x32xf32>
    %get3A_7 = arith.constant 1 : index
    %get3A_8 = arith.constant 0 : index
    %get3A_9 = arith.constant 0 : index
    %get3A_10 = vector.load %arg0[%get3A_7, %get3A_8, %get3A_9] : memref<2x10240x32xf32, #tpu.memory_space<vmem>>, vector<1x10240x32xf32>
    %get3A_11 = vector.shape_cast %get3A_10 : vector<1x10240x32xf32> to vector<10240x32xf32>
    %add3A = arith.addf %get3A_6, %get3A_11 : vector<10240x32xf32>
    %get3A_12 = arith.constant 0 : index
    %get3A_13 = arith.constant 0 : index
    %get3A_14 = vector.load %arg1[%get3A_12, %get3A_13] : memref<10240x32xf32, #tpu.memory_space<vmem>>, vector<10240x32xf32>
    %add3A_15 = arith.addf %add3A, %get3A_14 : vector<10240x32xf32>
    %mul3A = vector.broadcast %get3A_1 : vector<10240x1xf32> to vector<10240x32xf32>
    %mul3A_16 = arith.mulf %add3A_15, %mul3A : vector<10240x32xf32>
    %get3A_17 = arith.constant 0 : index
    %get3A_18 = arith.constant 0 : index
    %get3A_19 = vector.load %arg3[%get3A_17, %get3A_18] : memref<1x32xf32, #tpu.memory_space<vmem>>, vector<1x32xf32>
    %add3A_20 = vector.broadcast %get3A_19 : vector<1x32xf32> to vector<10240x32xf32>
    %add3A_21 = arith.addf %mul3A_16, %add3A_20 : vector<10240x32xf32>
    %max3A = arith.constant 0.000000e+00 : f32
    %max3A_22 = vector.broadcast %max3A : f32 to vector<10240x32xf32>
    %max3A_23 = arith.maximumf %add3A_21, %max3A_22 : vector<10240x32xf32>
    %get3A_24 = arith.constant 0 : index
    %get3A_25 = arith.constant 0 : index
    %get3A_26 = vector.load %arg4[%get3A_24, %get3A_25] : memref<10240x32xf32, #tpu.memory_space<vmem>>, vector<10240x32xf32>
    %mul3A_27 = arith.mulf %max3A_23, %get3A_26 : vector<10240x32xf32>
    %get3A_28 = arith.constant 0 : index
    %get3A_29 = arith.constant 0 : index
    %get3A_30 = vector.load %arg5[%get3A_28, %get3A_29] : memref<32x64xf32, #tpu.memory_space<vmem>>, vector<32x64xf32>
    %dot_general3A = arith.constant dense<0.000000e+00> : vector<10240x64xf32>
    %dot_general3A_31 = tpu.matmul %mul3A_27, %get3A_30, %dot_general3A {dimension_numbers = #tpu.dot_dimension_numbers<[1], [0], [0], [1], [0, 0, 1, 1], [], []>, transpose_lhs_hint = false} : vector<10240x32xf32>, vector<32x64xf32>, vector<10240x64xf32> -> vector<10240x64xf32>
    %mul3A_32 = vector.broadcast %get3A_1 : vector<10240x1xf32> to vector<10240x64xf32>
    %mul3A_33 = arith.mulf %dot_general3A_31, %mul3A_32 : vector<10240x64xf32>
    %swap3A = arith.constant 0 : index
    %swap3A_34 = arith.constant 0 : index
    %swap3A_35 = vector.load %arg6[%swap3A, %swap3A_34] : memref<10240x64xf32, #tpu.memory_space<vmem>>, vector<10240x64xf32>
    tpu.vector_store %arg6[%swap3A, %swap3A_34], %mul3A_33 {strides = array<i32>} : memref<10240x64xf32, #tpu.memory_space<vmem>>, vector<10240x64xf32>,
    return
  }
}

module attributes {stable_mosaic.version = 14 : i64} {
  func.func @body(%arg0: memref<2x10240x64xf32, #tpu.memory_space<vmem>>, %arg1: memref<10240x64xf32, #tpu.memory_space<vmem>>, %arg2: memref<10240x1xf32, #tpu.memory_space<vmem>>, %arg3: memref<1x64xf32, #tpu.memory_space<vmem>>, %arg4: memref<10240x64xf32, #tpu.memory_space<vmem>>) attributes {dimension_semantics = [], scalar_prefetch = 0 : i64, scratch_operands = 0 : i64, tpu.core_type = #tpu.core_type<tc>} {
    %get3A = arith.constant 0 : index
    %get3A_0 = arith.constant 0 : index
    %get3A_1 = arith.constant 0 : index
    %get3A_2 = vector.load %arg0[%get3A, %get3A_0, %get3A_1] : memref<2x10240x64xf32, #tpu.memory_space<vmem>>, vector<1x10240x64xf32>
    %get3A_3 = vector.shape_cast %get3A_2 : vector<1x10240x64xf32> to vector<10240x64xf32>
    %get3A_4 = arith.constant 1 : index
    %get3A_5 = arith.constant 0 : index
    %get3A_6 = arith.constant 0 : index
    %get3A_7 = vector.load %arg0[%get3A_4, %get3A_5, %get3A_6] : memref<2x10240x64xf32, #tpu.memory_space<vmem>>, vector<1x10240x64xf32>
    %get3A_8 = vector.shape_cast %get3A_7 : vector<1x10240x64xf32> to vector<10240x64xf32>
    %add3A = arith.addf %get3A_3, %get3A_8 : vector<10240x64xf32>
    %get3A_9 = arith.constant 0 : index
    %get3A_10 = arith.constant 0 : index
    %get3A_11 = vector.load %arg1[%get3A_9, %get3A_10] : memref<10240x64xf32, #tpu.memory_space<vmem>>, vector<10240x64xf32>
    %add3A_12 = arith.addf %add3A, %get3A_11 : vector<10240x64xf32>
    %get3A_13 = arith.constant 0 : index
    %get3A_14 = arith.constant 0 : index
    %get3A_15 = vector.load %arg2[%get3A_13, %get3A_14] : memref<10240x1xf32, #tpu.memory_space<vmem>>, vector<10240x1xf32>
    %mul3A = vector.broadcast %get3A_15 : vector<10240x1xf32> to vector<10240x64xf32>
    %mul3A_16 = arith.mulf %add3A_12, %mul3A : vector<10240x64xf32>
    %get3A_17 = arith.constant 0 : index
    %get3A_18 = arith.constant 0 : index
    %get3A_19 = vector.load %arg3[%get3A_17, %get3A_18] : memref<1x64xf32, #tpu.memory_space<vmem>>, vector<1x64xf32>
    %add3A_20 = vector.broadcast %get3A_19 : vector<1x64xf32> to vector<10240x64xf32>
    %add3A_21 = arith.addf %mul3A_16, %add3A_20 : vector<10240x64xf32>
    %gt3A = arith.constant 0.000000e+00 : f32
    %gt3A_22 = vector.broadcast %gt3A : f32 to vector<10240x64xf32>
    %gt3A_23 = arith.cmpf ogt, %add3A_21, %gt3A_22 : vector<10240x64xf32>
    %mul3A_24 = arith.constant 0.00999999977 : f32
    %mul3A_25 = vector.broadcast %mul3A_24 : f32 to vector<10240x64xf32>
    %mul3A_26 = arith.mulf %mul3A_25, %add3A_21 : vector<10240x64xf32>
    %select_n3A = arith.select %gt3A_23, %add3A_21, %mul3A_26 : vector<10240x64xi1>, vector<10240x64xf32>
    %swap3A = arith.constant 0 : index
    %swap3A_27 = arith.constant 0 : index
    %swap3A_28 = vector.load %arg4[%swap3A, %swap3A_27] : memref<10240x64xf32, #tpu.memory_space<vmem>>, vector<10240x64xf32>
    tpu.vector_store %arg4[%swap3A, %swap3A_27], %select_n3A {strides = array<i32>} : memref<10240x64xf32, #tpu.memory_space<vmem>>, vector<10240x64xf32>,
    return
  }
}

</mosaic_0001>

<sc_bundles>
// kernel: kernel.12.cloned.1.call-start
scs
__scs_entry_jumppad:
0x0: {  	(pc) =	sbr.rel $0x88, $3  }
0x1: {  	(tag) =	ssettag $0x0;
	lr =	simm.s32 $0x1  }
0x2: {  	[smem:$0x3F9B] =	sst lr;
	_ =	strace $0xD0000000  }
0x3: {  	_ = 	snop  }
0x4: {  	_ = 	snop  }
0x5: {  	_ = 	snop  }
0x6: {  	_ = 	snop  }
0x7: {  	_ = 	snop  }
__scs_overlays_trampoline_lowered:
0x8: {  	[smem:$0x3FAA] =	sst s0  }
0x9: {  	[smem:$0x3FAB] =	sst s1  }
0xa: {  	[smem:$0x3FAC] =	sst s2  }
0xb: {  	[smem:$0x3FAD] =	sst s3  }
0xc: {  	[smem:$0x3FAE] =	sst s4  }
0xd: {  	[smem:$0x3FAF] =	sst s5  }
0xe: {  	[smem:$0x3FB0] =	sst s6  }
0xf: {  	[smem:$0x3FB1] =	sst s7  }
0x10: {  	[smem:$0x3FB2] =	sst s8  }
0x11: {  	[smem:$0x3FB3] =	sst s9;
	s0 =	simm.s32 @!p0 $0x0  }
0x12: {  	s1 =	sld [smem:$0x3F99];
	s0 =	simm.s32 @p0 $0x1  }
0x13: {  	[smem:$0x3FB4] =	sst s0;
	s0 =	simm.s32 @!p1 $0x0  }
0x14: {  	s2 =	sld [smem:$0x3F98];
	s0 =	simm.s32 @p1 $0x1  }
0x15: {  	[smem:$0x3FB5] =	sst s0;
	s0 =	simm.s32 @!p2 $0x0  }
0x16: {  	s3 =	sld [smem:$0x3FDB];
	s0 =	simm.s32 @p2 $0x1  }
0x17: {  	s4 =	simm.s32 $0x1BF5;
	[smem:$0x3FB7] =	sst s0  }
0x18: {  	s0 =	sld [smem:$0x3F9A];
	_ =	swait.ge [sflag:s4], $0x0  }
0x19: {  	s7 =	sld [smem:$0x3F9B]  }
0x1a: {  	s8 =	sadd.s32 $0xFFFFE003, lr  }
0x1b: {  	s9 =	sadd.s32 $0xFFFFFEF7, lr;
	s5 =	simm.s32 $0xFFFFFFFF;
	p2 =	slt.u32 s8, $0xFFFFF086  }
0x1c: {  	p1 =	slt.u32 s9, $0xF7A;
	s5 =	simm.s32 @!p2 $0x0  }
0x1d: {  	s5 =	simm.s32 @p1 $0x1;
	p0 =	seq.s32 s7, s2  }
0x1e: {  	s7 =	smul.u32 @!p0 $0xF7A, s2;
	p2 =	seq.s32 @!p0 s5, $0x0  }
0x1f: {  	s9 =	smul.u32 $0xF7A, s1;
	s8 =	simm.s32 @!p0 $0x1BF5;
	p2 =	por !p2, p0  }
0x20: {  	[sflag:s8] =	ssyncset.s32 @!p0 $0xFFFFF086;
	s6 =	sadd.s32 @!p0 s3, s7;
	s7 =	simm.s32 @!p0 $0x108  }
0x21: {  	s3 =	sadd.s32 s3, s9;
	s6 =	sadd.s32 @!p0 $0x88, s6;
	s7 =	simm.s32 @p2 $0x1082  }
0x22: {  	[simem:s7], [sflag:s8] =	dma.local @!p0 [hbm:s6], $0xF7A  }
0x23: {  	s9 =	sor.u32 $0xD0000000, s2;
	s6 =	simm.s32 $0x108;
	_ =	swait.ge @!p0 [sflag:s8], $0x0  }
0x24: {  	s3 =	sadd.s32 $0x88, s3;
	s6 =	simm.s32 @!p1 $0x1082;
	[sflag:s4] =	ssyncset.s32 $0xFFFFF086  }
0x25: {  	[simem:s6], [sflag:s4] =	dma.local [hbm:s3], $0xF7A  }
0x26: {  	[smem:$0x3F9B] =	sst s1;
	(tag) =	ssettag s2;
	_ =	strace s9  }
0x27: {  	s1 =	sld [smem:$0x3FAB]  }
0x28: {  	s2 =	sld [smem:$0x3FAC]  }
0x29: {  	s4 =	sld [smem:$0x3FAE]  }
0x2a: {  	p0 =	seq.s32 s5, $0x0;
	s5 =	sld [smem:$0x3FAF]  }
0x2b: {  	s6 =	sld [smem:$0x3FB0]  }
0x2c: {  	s7 =	sld [smem:$0x3FB1]  }
0x2d: {  	s3 =	simm.s32 $0x108;
	s8 =	sld [smem:$0x3FB2]  }
0x2e: {  	s3 =	simm.s32 @!p0 $0x1082;
	s9 =	sld [smem:$0x3FB3]  }
0x2f: {  	lr =	sadd.s32 s0, s3;
	s0 =	sld [smem:$0x3FAA]  }
0x30: {  	s3 =	sld [smem:$0x3FAD]  }
0x31: {  	[smem:$0x3FB6] =	sst s10  }
0x32: {  	s10 =	sld [smem:$0x3FB4];
	_ =	sdelay $0x3  }
0x33: {  	p0 =	seq.s32 s10, $0x1;
	s10 =	sld [smem:$0x3FB6];
	_ =	sdelay $0x3  }
0x34: {  	[smem:$0x3FB6] =	sst s10  }
0x35: {  	s10 =	sld [smem:$0x3FB5];
	_ =	sdelay $0x3  }
0x36: {  	p1 =	seq.s32 s10, $0x1;
	s10 =	sld [smem:$0x3FB6];
	_ =	sdelay $0x3  }
0x37: {  	[smem:$0x3FB6] =	sst s10  }
0x38: {  	s10 =	sld [smem:$0x3FB7]  }
0x39: {  	_ = 	snop;
	(pc) =	sbr.ind lr, $3  }
0x3a: {  	_ = 	snop  }
0x3b: {  	_ = 	snop  }
0x3c: {  	p2 =	seq.s32 s10, $0x1;
	s10 =	sld [smem:$0x3FB6]  }
0x3d: {  	_ =	shalt  }
0x3e: {  	_ =	shalt  }
0x3f: {  	_ =	shalt  }
0x40: {  	_ =	shalt  }
0x41: {  	_ =	shalt  }
0x42: {  	_ =	shalt  }
0x43: {  	_ =	shalt  }
0x44: {  	_ =	shalt  }
0x45: {  	_ =	shalt  }
0x46: {  	_ =	shalt  }
0x47: {  	_ =	shalt  }
0x48: {  	_ =	shalt  }
0x49: {  	_ =	shalt  }
0x4a: {  	_ =	shalt  }
0x4b: {  	_ =	shalt  }
0x4c: {  	_ =	shalt  }
0x4d: {  	_ =	shalt  }
0x4e: {  	_ =	shalt  }
0x4f: {  	_ =	shalt  }
0x50: {  	_ =	shalt  }
0x51: {  	_ =	shalt  }
0x52: {  	_ =	shalt  }
0x53: {  	_ =	shalt  }
0x54: {  	_ =	shalt  }
0x55: {  	_ =	shalt  }
0x56: {  	_ =	shalt  }
0x57: {  	_ =	shalt  }
0x58: {  	_ =	shalt  }
0x59: {  	_ =	shalt  }
0x5a: {  	_ =	shalt  }
0x5b: {  	_ =	shalt  }
0x5c: {  	_ =	shalt  }
0x5d: {  	_ =	shalt  }
0x5e: {  	_ =	shalt  }
0x5f: {  	_ =	shalt  }
0x60: {  	_ =	shalt  }
0x61: {  	_ =	shalt  }
0x62: {  	_ =	shalt  }
0x63: {  	_ =	shalt  }
0x64: {  	_ =	shalt  }
0x65: {  	_ =	shalt  }
0x66: {  	_ =	shalt  }
0x67: {  	_ =	shalt  }
0x68: {  	_ =	shalt  }
0x69: {  	_ =	shalt  }
0x6a: {  	_ =	shalt  }
0x6b: {  	_ =	shalt  }
0x6c: {  	_ =	shalt  }
0x6d: {  	_ =	shalt  }
0x6e: {  	_ =	shalt  }
0x6f: {  	_ =	shalt  }
0x70: {  	_ =	shalt  }
0x71: {  	_ =	shalt  }
0x72: {  	_ =	shalt  }
0x73: {  	_ =	shalt  }
0x74: {  	_ =	shalt  }
0x75: {  	_ =	shalt  }
0x76: {  	_ =	shalt  }
0x77: {  	_ =	shalt  }
0x78: {  	_ =	shalt  }
0x79: {  	_ =	shalt  }
0x7a: {  	_ =	shalt  }
0x7b: {  	_ =	shalt  }
0x7c: {  	_ =	shalt  }
0x7d: {  	_ =	shalt  }
0x7e: {  	_ =	shalt  }
0x7f: {  	_ =	shalt  }
0x80: {  	_ =	shalt  }
0x81: {  	_ =	shalt  }
0x82: {  	_ =	shalt  }
0x83: {  	_ =	shalt  }
0x84: {  	_ =	shalt  }
0x85: {  	_ =	shalt  }
0x86: {  	_ =	shalt  }
0x87: {  	_ =	shalt  }
.Lfunc_end0:
.L_simem_size_0:
called_computation.1_lowered:
.L_overlay_start_0:
0x88: {  	s2 =	sld [smem:$0x3FD9]  }
0x89: {  	s3 =	sld [smem:$0x3FFE];
	_ =	sdelay $0x1  }
0x8a: {  	s1 =	srdreg.scid  }
0x8b: {  	s0 =	sand.u32 $0x1, s1  }
0x8c: {  	s17 =	sshll.u32 s0, $0xA;
	s2 =	sadd.s32 s3, s2  }
0x8d: {  	s2 =	sadd.s32 s2, s17  }
0x8e: {  	[smem:$0x3FC2] =	sst s2  }
0x8f: {  	_ = 	snop  }
0x90: {  	s2 =	sld [smem:$0x3FD0];
	(tm) =	ssettm $0x1  }
0x91: {  	s18 =	sld [smem:$0x3FFB];
	_ =	sdelay $0x3  }
0x92: {  	_ =	strace s18  }
0x93: {  	s3 =	sld [smem:$0x3FFC];
	_ =	sdelay $0x3  }
0x94: {  	_ =	strace s3  }
0x95: {  	s3 =	sld [smem:$0x3FFD];
	_ =	sdelay $0x3  }
0x96: {  	_ =	strace s3  }
0x97: {  	_ =	strace $0x8FFFFFFF  }
0x98: {  	s19 =	sld [smem:$0x3FDB];
	_ =	sdelay $0x1  }
0x99: {  	s4 =	simm.s32 $_scs_section_size  }
0x9a: {  	s5 =	simm.s32 $_size__tile_overlayer_lowered;
	s6 =	simm.s32 $_tile_overlayer_lowered  }
0x9b: {  	s22 =	simm.s32 $0x1BFF;
	s21 =	sshll.u32 s6, $0x1;
	s3 =	sadd.s32 s4, s19  }
0x9c: {  	s7 =	simm.s32 $0x0;
	s20 =	sshll.u32 s5, $0x1;
	s5 =	sadd.s32 s21, s3  }
0x9d: {  	[timem:s7], [sflag:s22] =	dma.local [hbm:s5], s20  }
0x9e: {  	_ =	swait.ge [sflag:s22], s20  }
0x9f: {  	s4 =	ssub.s32 $0x0, s20;
	[sflag:s22] =	ssyncset.done $0x0  }
0xa0: {  	[sflag:s22] =	ssyncadd.s32 s4;
	_ =	sdelay $0x1  }
0xa1: {  	s23 =	simm.s32 $0x1B8B  }
0xa2: {  	_ =	swait.ge [sflag:s23], $0x1  }
0xa3: {  	[sflag:s23] =	ssyncset.done $0x0  }
0xa4: {  	s25 =	simm.s32 $0x1B8E;
	s24 =	sld [smem:$0x3FFE];
	[sflag:s23] =	ssyncadd.s32 $0xFFFFFFFF  }
0xa5: {  	s26 =	simm.s32 $execute0_lowered;
	[smem:$0x3FD2] =	sst s25  }
0xa6: {  	s5 =	sshll.u32 s26, $0x1;
	_ =	strace $0x80000049;
	[dreg:$0x1] =	wrdreg $0xFFFFFFFF  }
0xa7: {  	s28 =	simm.s32 $_size_execute0_lowered;
	s3 =	sadd.s32 s3, s5;
	[dreg:$0x0] =	wrdreg $0x0  }
0xa8: {  	s5 =	sshll.u32 s28, $0x1;
	[dreg:$0x2] =	wrdreg s3  }
0xa9: {  	[dreg:$0x3] =	wrdreg s5  }
0xaa: {  	[dreg:$0x4] =	wrdreg $0xC0  }
0xab: {  	_ =	task [dreg:s7], $0x5FFFF  }
0xac: {  	[dreg:$0x1] =	wrdreg $0xFFFFFFFF  }
0xad: {  	[dreg:$0x0] =	wrdreg $0x60  }
0xae: {  	[dreg:$0x2] =	wrdreg s24  }
0xaf: {  	[dreg:$0x3] =	wrdreg s2  }
0xb0: {  	[dreg:$0x4] =	wrdreg $0xBA000  }
0xb1: {  	[dreg:$0x5] =	wrdreg $0x9  }
0xb2: {  	_ =	task.clear_ibuf [dreg:s7], $0x6FFFF;
	_ =	strace $0x90000049  }
0xb3: {  	s29 =	simm.s32 $0x9;
	_ =	strace $0x8000004B  }
0xb4: {  	_ =	swait.ge [sflag:s29], $0x1  }
0xb5: {  	[sflag:s29] =	ssyncadd.s32 $0xFFFFFFFF  }
0xb6: {  	_ =	strace $0x9000004B  }
0xb7: {  	_ =	sfence  }
0xb8: {  	s30 =	sld [smem:$0x0];
	_ =	sdelay $0x2  }
0xb9: {  	s31 =	sshll.u32 s1, $0xD;
	s1 =	sshrl.u32 s1, $0x2  }
0xba: {  	s3 =	sand.u32 $0x4000, s31;
	s1 =	sadd.s32 s1, s30  }
0xbb: {  	s0 =	sor.u32 s3, s0;
	s1 =	sshll.u32 s1, $0x11  }
0xbc: {  	s0 =	sor.u32 s1, s0  }
0xbd: {  	s0 =	sadd.s32 $0x8F2B, s0  }
0xbe: {  	[sflag:s0] =	ssyncadd.remote.s32 $0x1  }
0xbf: {  	_ =	sfence.sel $0xFFFF  }
0xc0: {  	[dreg:$0x0] =	wrdreg $0xFFFFFFFF;
	(pc) =	sbr.abs _section_cstart, $3  }
0xc1: {  	[dreg:$0x1] =	wrdreg $0xFFFFFFFF  }
0xc2: {  	_ =	task.clear_ibuf [dreg:s7], $0x2FFFF;
	_ =	strace $0x9FFFFFFF  }
0xc3: {  	(tm) =	ssettm $0x7FFFFFFF  }
tec
execute0_lowered:
.L_overlay_start_1:
0x0: {  	(tag) =	ssettag $0x1  }
0x1: {  	s6 =	rddreg [dreg:$0x0]  }
0x2: {  	s8 =	rddreg [dreg:$0x1];
	s0 =	srdreg.scid  }
0x3: {  	s2 =	rddreg [dreg:$0x2];
	s1 =	stileid.u32  }
0x4: {  	s3 =	simm.s32 $0x0;
	s14 =	simm.s32 $0x5A00;
	s15 =	simm.s32 $0x1  }
0x5: {  	s5 =	sand.u32 $0x1, s0;
	s0 =	rddreg [dreg:$0x3];
	s7 =	smul.u32 $0x5000, s1  }
0x6: {  	[smem:$0x7FF] =	sst s3;
	s16 =	sshll.u32 s1, $0x6;
	s4 =	sshll.u32 s5, $0x4  }
0x7: {  	s9 =	smul.u32 $0x50000, s5;
	_ =	strace $0x8000004A;
	s12 =	ssub.s32 $0x2, s5  }
0x8: {  	p0 =	seq.s32 s5, $0x0;
	s5 =	simm.s32 $0x5A;
	s16 =	sor.u32 $0x1C02, s16  }
0x9: {  	s4 =	sor.u32 s1, s4;
	s13 =	sshrl.u32 s12, $0x1;
	s5 =	simm.s32 @!p0 $0x43  }
0xa: {  	s10 =	smul.u32 $0x5A0, s4;
	s4 =	sadd.s32 $0xA00, s6;
	s9 =	sadd.s32 s7, s9  }
0xb: {  	s12 =	ssub.s32 s12, s13;
	s13 =	simm.s32 $0x80;
	s9 =	sshrl.u32 s9, $0x3  }
0xc: {  	s11 =	sadd.s32 s10, s6;
	s9 =	sadd.s32 s9, s6;
	s6 =	sadd.s32 s7, s2  }
0xd: {  	s8 =	sadd.s32 s8, s10;
	s10 =	smax.u32 s12, $0x1;
	s12 =	simm.s32 $0x2  }
0xe: {  	v0 =	vimm.f32 $0.0e+00;
	s7 =	sadd.s32 $0xAA00, s11;
	s9 =	sadd.s32 $0x15E00, s9;
	s11 =	simm.s32 $0x6A00  }
.LBB2_1:
0xf: {  	s17 =	simm.s32 $0x80;
	s18 =	simm.s32 $0x0  }
.LBB2_2:
0x10: {  	p0 =	sne.s32 s17, $0x13F80;
	[tilespmem:s18+$0x6A00] =	vst v0;
	s19 =	smov.u32 s17;
	s17 =	sadd.s32 $0x80, s17  }
.Ltmp0:
0x11: {  	[tilespmem:s18+$0x6A10] =	vst v0;
	(pc) =	sbr.rel @p0 .LBB2_2-.Ltmp0, $2  }
0x12: {  	_ =	sdelay $0x2  }
0x13: {  	s18 =	sshra.s32 s19, $0x2  }
0x14: {  	[tilespmem:s18+$0x6A00] =	vst v0  }
0x15: {  	[tilespmem:s18+$0x6A10] =	vst v0  }
0x16: {  	[spmem:s6] =	stream.linear.scatter [tilespmem:s11], [sflag:$0x2], $0x5000, $0x38;
	[tilespmem:$0x10A00] =	vst v63  }
0x17: {  	_ =	swait.ge [sflag:s12], $0x5000  }
0x18: {  	[sflag:s12] =	ssyncset.done $0x0  }
0x19: {  	s17 =	simm.s32 $0x0;
	[sflag:s12] =	ssyncadd.s32 $0xFFFFB000  }
0x1a: {  	[tilespmem:s17], [sflag:$0x2] =	stream.linear.gather [hbm4b:s7+s17], $0x2D00, $0x38;
	[tilespmem:$0x10A00] =	vst v63  }
0x1b: {  	_ =	swait.ge [sflag:s12], $0x2D00  }
0x1c: {  	[sflag:s12] =	ssyncset.done $0x0  }
0x1d: {  	s18 =	simm.s32 $0x2D00;
	[sflag:s12] =	ssyncadd.s32 $0xFFFFD300  }
0x1e: {  	[tilespmem:s18], [sflag:$0x2] =	stream.linear.gather [hbm4b:s8+s17], $0x2D00, $0x38;
	[tilespmem:$0x10A00] =	vst v63  }
0x1f: {  	_ =	swait.ge [sflag:s12], $0x2D00  }
0x20: {  	[sflag:s12] =	ssyncset.done $0x0  }
0x21: {  	[sflag:s12] =	ssyncadd.s32 $0xFFFFD300  }
0x22: {  	[bflag:$0x0] =	sbarrier.arrive $0xFFFF  }
0x23: {  	[tilespmem:s14], [sflag:$0x1] =	stream.indirect.gather [hbm4b:s4+s13], $0x20, s17, s13, $0xb8;
	[tilespmem:$0x10A00] =	vst v63  }
0x24: {  	p0 =	sne.s32 s5, $0x1;
	_ =	swait.ge [sflag:s15], $0x1000  }
.Ltmp1:
0x25: {  	[sflag:s15] =	ssyncset.done $0x0;
	(pc) =	sbr.rel @!p0 .LBB2_5-.Ltmp1, $4  }
0x26: {  	[sflag:s15] =	ssyncadd.s32 $0xFFFFF000  }
0x27: {  	[spmem:s2] =	stream.indirect.scatter.add.f32 [tilespmem:s14], [sflag:$0x2], $0x20, s18, s13, $0xb8;
	[tilespmem:$0x10A00] =	vst v63  }
0x28: {  	_ =	swait.ge [sflag:s12], $0x1000  }
0x29: {  	s19 =	sadd.s32 $0xFFFFFFFF, s5;
	[sflag:s12] =	ssyncset.done $0x0  }
.LBB2_4:
0x2a: {  	[sflag:s12] =	ssyncadd.s32 $0xFFFFF000;
	s17 =	sadd.s32 $0x80, s17;
	s18 =	sadd.s32 $0x80, s18  }
0x2b: {  	[tilespmem:s14], [sflag:$0x1] =	stream.indirect.gather [hbm4b:s4+s13], $0x20, s17, s13, $0xb8;
	[tilespmem:$0x10A00] =	vst v63  }
0x2c: {  	p0 =	sne.s32 s19, $0x1;
	s19 =	sadd.s32 $0xFFFFFFFF, s19;
	_ =	swait.ge [sflag:s15], $0x1000  }
.Ltmp2:
0x2d: {  	[sflag:s15] =	ssyncset.done $0x0;
	(pc) =	sbr.rel @p0 .LBB2_4-.Ltmp2, $4  }
0x2e: {  	[sflag:s15] =	ssyncadd.s32 $0xFFFFF000  }
0x2f: {  	[spmem:s2] =	stream.indirect.scatter.add.f32 [tilespmem:s14], [sflag:$0x2], $0x20, s18, s13, $0xb8;
	[tilespmem:$0x10A00] =	vst v63  }
0x30: {  	_ =	swait.ge [sflag:s12], $0x1000  }
0x31: {  	[sflag:s12] =	ssyncset.done $0x0  }
.LBB2_5:
0x32: {  	s3 =	sadd.s32 $0x1, s3  }
0x33: {  	[sflag:s12] =	ssyncadd.s32 $0xFFFFF000;
	p0 =	sne.s32 s3, s10  }
.Ltmp3:
0x34: {  	s17 =	sshrl.u32 s6, $0x3;
	[bflag:$0x0] =	sbarrier.arrive $0xFFFF;
	(pc) =	sbr.rel @p0 .LBB2_1-.Ltmp3, $4  }
0x35: {  	[hbm:s9], [sflag:s16] =	dma.local [spmem:s17], $0xA00  }
0x36: {  	_ =	swait.ge [sflag:s12], $0xA00  }
0x37: {  	[sflag:s12] =	ssyncset.done $0x0  }
0x38: {  	[sflag:s12] =	ssyncadd.s32 $0xFFFFF600  }
0x39: {  	_ =	sfence.sel $0x180000  }
0x3a: {  	[bflag:$0x0] =	sbarrier.arrive $0xFFFF  }
0x3b: {  	p0 =	sne.s32 s1, $0x0;
	_ =	strace $0x9000004A  }
0x3c: {  	s0 =	sadd.s32 @!p0 $0x100000, s0;
	[bflag:$0x2] =	sbarrier.arrive $0xFFFF  }
0x3d: {  	[sflag:s0] =	ssyncadd.tile.s32 @!p0 $0x1;
	_ =	shalt  }
.Lfunc_end2:
_tile_overlayer_lowered:
.L_overlay_start_2:
0x3e: {  	(tag) =	ssettag $0x2  }
0x3f: {  	s0 =	rddreg [dreg:$0x0];
	s2 =	stileid.u32  }
0x40: {  	s1 =	rddreg [dreg:$0x1];
	p0 =	sne.s32 s2, $0x0  }
0x41: {  	s3 =	rddreg [dreg:$0x2];
	[bflag:$0x3] =	sbarrier.arrive $0xFFFF;
	s2 =	simm.s32 @!p0 $0x1C02  }
0x42: {  	[timem:s3], [sflag:s2] =	dma.local @!p0 [hbm:s0], s1  }
0x43: {  	s0 =	simm.s32 @!p0 $0x2  }
0x44: {  	_ =	swait.ge @!p0 [sflag:s0], s1  }
0x45: {  	s1 =	ssub.s32 @!p0 $0x0, s1;
	[sflag:s0] =	ssyncset.done @!p0 $0x0  }
0x46: {  	[sflag:s0] =	ssyncadd.s32 @!p0 s1  }
0x47: {  	[bflag:$0x3] =	sbarrier.arrive $0xFFFF  }
0x48: {  	_ =	shalt  }

// kernel: kernel.15.cloned.1.call-start
scs
__scs_entry_jumppad:
0x0: {  	(pc) =	sbr.rel $0x88, $3  }
0x1: {  	(tag) =	ssettag $0x0;
	lr =	simm.s32 $0x1  }
0x2: {  	[smem:$0x3F9B] =	sst lr;
	_ =	strace $0xD0000000  }
0x3: {  	_ = 	snop  }
0x4: {  	_ = 	snop  }
0x5: {  	_ = 	snop  }
0x6: {  	_ = 	snop  }
0x7: {  	_ = 	snop  }
__scs_overlays_trampoline_lowered:
0x8: {  	[smem:$0x3FAA] =	sst s0  }
0x9: {  	[smem:$0x3FAB] =	sst s1  }
0xa: {  	[smem:$0x3FAC] =	sst s2  }
0xb: {  	[smem:$0x3FAD] =	sst s3  }
0xc: {  	[smem:$0x3FAE] =	sst s4  }
0xd: {  	[smem:$0x3FAF] =	sst s5  }
0xe: {  	[smem:$0x3FB0] =	sst s6  }
0xf: {  	[smem:$0x3FB1] =	sst s7  }
0x10: {  	[smem:$0x3FB2] =	sst s8  }
0x11: {  	[smem:$0x3FB3] =	sst s9;
	s0 =	simm.s32 @!p0 $0x0  }
0x12: {  	s1 =	sld [smem:$0x3F99];
	s0 =	simm.s32 @p0 $0x1  }
0x13: {  	[smem:$0x3FB4] =	sst s0;
	s0 =	simm.s32 @!p1 $0x0  }
0x14: {  	s2 =	sld [smem:$0x3F98];
	s0 =	simm.s32 @p1 $0x1  }
0x15: {  	[smem:$0x3FB5] =	sst s0;
	s0 =	simm.s32 @!p2 $0x0  }
0x16: {  	s3 =	sld [smem:$0x3FDB];
	s0 =	simm.s32 @p2 $0x1  }
0x17: {  	s4 =	simm.s32 $0x1BF5;
	[smem:$0x3FB7] =	sst s0  }
0x18: {  	s0 =	sld [smem:$0x3F9A];
	_ =	swait.ge [sflag:s4], $0x0  }
0x19: {  	s7 =	sld [smem:$0x3F9B]  }
0x1a: {  	s8 =	sadd.s32 $0xFFFFE003, lr  }
0x1b: {  	s9 =	sadd.s32 $0xFFFFFEF7, lr;
	s5 =	simm.s32 $0xFFFFFFFF;
	p2 =	slt.u32 s8, $0xFFFFF086  }
0x1c: {  	p1 =	slt.u32 s9, $0xF7A;
	s5 =	simm.s32 @!p2 $0x0  }
0x1d: {  	s5 =	simm.s32 @p1 $0x1;
	p0 =	seq.s32 s7, s2  }
0x1e: {  	s7 =	smul.u32 @!p0 $0xF7A, s2;
	p2 =	seq.s32 @!p0 s5, $0x0  }
0x1f: {  	s9 =	smul.u32 $0xF7A, s1;
	s8 =	simm.s32 @!p0 $0x1BF5;
	p2 =	por !p2, p0  }
0x20: {  	[sflag:s8] =	ssyncset.s32 @!p0 $0xFFFFF086;
	s6 =	sadd.s32 @!p0 s3, s7;
	s7 =	simm.s32 @!p0 $0x108  }
0x21: {  	s3 =	sadd.s32 s3, s9;
	s6 =	sadd.s32 @!p0 $0x88, s6;
	s7 =	simm.s32 @p2 $0x1082  }
0x22: {  	[simem:s7], [sflag:s8] =	dma.local @!p0 [hbm:s6], $0xF7A  }
0x23: {  	s9 =	sor.u32 $0xD0000000, s2;
	s6 =	simm.s32 $0x108;
	_ =	swait.ge @!p0 [sflag:s8], $0x0  }
0x24: {  	s3 =	sadd.s32 $0x88, s3;
	s6 =	simm.s32 @!p1 $0x1082;
	[sflag:s4] =	ssyncset.s32 $0xFFFFF086  }
0x25: {  	[simem:s6], [sflag:s4] =	dma.local [hbm:s3], $0xF7A  }
0x26: {  	[smem:$0x3F9B] =	sst s1;
	(tag) =	ssettag s2;
	_ =	strace s9  }
0x27: {  	s1 =	sld [smem:$0x3FAB]  }
0x28: {  	s2 =	sld [smem:$0x3FAC]  }
0x29: {  	s4 =	sld [smem:$0x3FAE]  }
0x2a: {  	p0 =	seq.s32 s5, $0x0;
	s5 =	sld [smem:$0x3FAF]  }
0x2b: {  	s6 =	sld [smem:$0x3FB0]  }
0x2c: {  	s7 =	sld [smem:$0x3FB1]  }
0x2d: {  	s3 =	simm.s32 $0x108;
	s8 =	sld [smem:$0x3FB2]  }
0x2e: {  	s3 =	simm.s32 @!p0 $0x1082;
	s9 =	sld [smem:$0x3FB3]  }
0x2f: {  	lr =	sadd.s32 s0, s3;
	s0 =	sld [smem:$0x3FAA]  }
0x30: {  	s3 =	sld [smem:$0x3FAD]  }
0x31: {  	[smem:$0x3FB6] =	sst s10  }
0x32: {  	s10 =	sld [smem:$0x3FB4];
	_ =	sdelay $0x3  }
0x33: {  	p0 =	seq.s32 s10, $0x1;
	s10 =	sld [smem:$0x3FB6];
	_ =	sdelay $0x3  }
0x34: {  	[smem:$0x3FB6] =	sst s10  }
0x35: {  	s10 =	sld [smem:$0x3FB5];
	_ =	sdelay $0x3  }
0x36: {  	p1 =	seq.s32 s10, $0x1;
	s10 =	sld [smem:$0x3FB6];
	_ =	sdelay $0x3  }
0x37: {  	[smem:$0x3FB6] =	sst s10  }
0x38: {  	s10 =	sld [smem:$0x3FB7]  }
0x39: {  	_ = 	snop;
	(pc) =	sbr.ind lr, $3  }
0x3a: {  	_ = 	snop  }
0x3b: {  	_ = 	snop  }
0x3c: {  	p2 =	seq.s32 s10, $0x1;
	s10 =	sld [smem:$0x3FB6]  }
0x3d: {  	_ =	shalt  }
0x3e: {  	_ =	shalt  }
0x3f: {  	_ =	shalt  }
0x40: {  	_ =	shalt  }
0x41: {  	_ =	shalt  }
0x42: {  	_ =	shalt  }
0x43: {  	_ =	shalt  }
0x44: {  	_ =	shalt  }
0x45: {  	_ =	shalt  }
0x46: {  	_ =	shalt  }
0x47: {  	_ =	shalt  }
0x48: {  	_ =	shalt  }
0x49: {  	_ =	shalt  }
0x4a: {  	_ =	shalt  }
0x4b: {  	_ =	shalt  }
0x4c: {  	_ =	shalt  }
0x4d: {  	_ =	shalt  }
0x4e: {  	_ =	shalt  }
0x4f: {  	_ =	shalt  }
0x50: {  	_ =	shalt  }
0x51: {  	_ =	shalt  }
0x52: {  	_ =	shalt  }
0x53: {  	_ =	shalt  }
0x54: {  	_ =	shalt  }
0x55: {  	_ =	shalt  }
0x56: {  	_ =	shalt  }
0x57: {  	_ =	shalt  }
0x58: {  	_ =	shalt  }
0x59: {  	_ =	shalt  }
0x5a: {  	_ =	shalt  }
0x5b: {  	_ =	shalt  }
0x5c: {  	_ =	shalt  }
0x5d: {  	_ =	shalt  }
0x5e: {  	_ =	shalt  }
0x5f: {  	_ =	shalt  }
0x60: {  	_ =	shalt  }
0x61: {  	_ =	shalt  }
0x62: {  	_ =	shalt  }
0x63: {  	_ =	shalt  }
0x64: {  	_ =	shalt  }
0x65: {  	_ =	shalt  }
0x66: {  	_ =	shalt  }
0x67: {  	_ =	shalt  }
0x68: {  	_ =	shalt  }
0x69: {  	_ =	shalt  }
0x6a: {  	_ =	shalt  }
0x6b: {  	_ =	shalt  }
0x6c: {  	_ =	shalt  }
0x6d: {  	_ =	shalt  }
0x6e: {  	_ =	shalt  }
0x6f: {  	_ =	shalt  }
0x70: {  	_ =	shalt  }
0x71: {  	_ =	shalt  }
0x72: {  	_ =	shalt  }
0x73: {  	_ =	shalt  }
0x74: {  	_ =	shalt  }
0x75: {  	_ =	shalt  }
0x76: {  	_ =	shalt  }
0x77: {  	_ =	shalt  }
0x78: {  	_ =	shalt  }
0x79: {  	_ =	shalt  }
0x7a: {  	_ =	shalt  }
0x7b: {  	_ =	shalt  }
0x7c: {  	_ =	shalt  }
0x7d: {  	_ =	shalt  }
0x7e: {  	_ =	shalt  }
0x7f: {  	_ =	shalt  }
0x80: {  	_ =	shalt  }
0x81: {  	_ =	shalt  }
0x82: {  	_ =	shalt  }
0x83: {  	_ =	shalt  }
0x84: {  	_ =	shalt  }
0x85: {  	_ =	shalt  }
0x86: {  	_ =	shalt  }
0x87: {  	_ =	shalt  }
.Lfunc_end0:
.L_simem_size_0:
called_computation.2_lowered:
.L_overlay_start_0:
0x88: {  	s2 =	sld [smem:$0x3FD9]  }
0x89: {  	s3 =	sld [smem:$0x3FFE];
	_ =	sdelay $0x1  }
0x8a: {  	s1 =	srdreg.scid  }
0x8b: {  	s0 =	sand.u32 $0x1, s1  }
0x8c: {  	s17 =	sshll.u32 s0, $0xA;
	s2 =	sadd.s32 s3, s2  }
0x8d: {  	s2 =	sadd.s32 s2, s17  }
0x8e: {  	[smem:$0x3FC2] =	sst s2  }
0x8f: {  	_ = 	snop  }
0x90: {  	s2 =	sld [smem:$0x3FD0];
	(tm) =	ssettm $0x1  }
0x91: {  	s18 =	sld [smem:$0x3FFB];
	_ =	sdelay $0x3  }
0x92: {  	_ =	strace s18  }
0x93: {  	s3 =	sld [smem:$0x3FFC];
	_ =	sdelay $0x3  }
0x94: {  	_ =	strace s3  }
0x95: {  	s3 =	sld [smem:$0x3FFD];
	_ =	sdelay $0x3  }
0x96: {  	_ =	strace s3  }
0x97: {  	_ =	strace $0x8FFFFFFF  }
0x98: {  	s19 =	sld [smem:$0x3FDB];
	_ =	sdelay $0x1  }
0x99: {  	s4 =	simm.s32 $_scs_section_size  }
0x9a: {  	s5 =	simm.s32 $_size__tile_overlayer_lowered;
	s6 =	simm.s32 $_tile_overlayer_lowered  }
0x9b: {  	s22 =	simm.s32 $0x1BFF;
	s21 =	sshll.u32 s6, $0x1;
	s3 =	sadd.s32 s4, s19  }
0x9c: {  	s7 =	simm.s32 $0x0;
	s20 =	sshll.u32 s5, $0x1;
	s5 =	sadd.s32 s21, s3  }
0x9d: {  	[timem:s7], [sflag:s22] =	dma.local [hbm:s5], s20  }
0x9e: {  	_ =	swait.ge [sflag:s22], s20  }
0x9f: {  	s4 =	ssub.s32 $0x0, s20;
	[sflag:s22] =	ssyncset.done $0x0  }
0xa0: {  	[sflag:s22] =	ssyncadd.s32 s4;
	_ =	sdelay $0x1  }
0xa1: {  	s23 =	simm.s32 $0x1B8B  }
0xa2: {  	_ =	swait.ge [sflag:s23], $0x1  }
0xa3: {  	[sflag:s23] =	ssyncset.done $0x0  }
0xa4: {  	s25 =	simm.s32 $0x1B8E;
	s24 =	sld [smem:$0x3FFE];
	[sflag:s23] =	ssyncadd.s32 $0xFFFFFFFF  }
0xa5: {  	s26 =	simm.s32 $execute0_lowered;
	[smem:$0x3FD2] =	sst s25  }
0xa6: {  	s5 =	sshll.u32 s26, $0x1;
	_ =	strace $0x8000004C;
	[dreg:$0x1] =	wrdreg $0xFFFFFFFF  }
0xa7: {  	s28 =	simm.s32 $_size_execute0_lowered;
	s3 =	sadd.s32 s3, s5;
	[dreg:$0x0] =	wrdreg $0x0  }
0xa8: {  	s5 =	sshll.u32 s28, $0x1;
	[dreg:$0x2] =	wrdreg s3  }
0xa9: {  	[dreg:$0x3] =	wrdreg s5  }
0xaa: {  	[dreg:$0x4] =	wrdreg $0xC0  }
0xab: {  	_ =	task [dreg:s7], $0x5FFFF  }
0xac: {  	[dreg:$0x1] =	wrdreg $0xFFFFFFFF  }
0xad: {  	[dreg:$0x0] =	wrdreg $0x60  }
0xae: {  	[dreg:$0x2] =	wrdreg s24  }
0xaf: {  	[dreg:$0x3] =	wrdreg s2  }
0xb0: {  	[dreg:$0x4] =	wrdreg $0x11A000  }
0xb1: {  	[dreg:$0x5] =	wrdreg $0x9  }
0xb2: {  	_ =	task.clear_ibuf [dreg:s7], $0x6FFFF;
	_ =	strace $0x9000004C  }
0xb3: {  	s29 =	simm.s32 $0x9;
	_ =	strace $0x8000004E  }
0xb4: {  	_ =	swait.ge [sflag:s29], $0x1  }
0xb5: {  	[sflag:s29] =	ssyncadd.s32 $0xFFFFFFFF  }
0xb6: {  	_ =	strace $0x9000004E  }
0xb7: {  	_ =	sfence  }
0xb8: {  	s30 =	sld [smem:$0x0];
	_ =	sdelay $0x2  }
0xb9: {  	s31 =	sshll.u32 s1, $0xD;
	s1 =	sshrl.u32 s1, $0x2  }
0xba: {  	s3 =	sand.u32 $0x4000, s31;
	s1 =	sadd.s32 s1, s30  }
0xbb: {  	s0 =	sor.u32 s3, s0;
	s1 =	sshll.u32 s1, $0x11  }
0xbc: {  	s0 =	sor.u32 s1, s0  }
0xbd: {  	s0 =	sadd.s32 $0x8F2B, s0  }
0xbe: {  	[sflag:s0] =	ssyncadd.remote.s32 $0x1  }
0xbf: {  	_ =	sfence.sel $0xFFFF  }
0xc0: {  	[dreg:$0x0] =	wrdreg $0xFFFFFFFF;
	(pc) =	sbr.abs _section_cstart, $3  }
0xc1: {  	[dreg:$0x1] =	wrdreg $0xFFFFFFFF  }
0xc2: {  	_ =	task.clear_ibuf [dreg:s7], $0x2FFFF;
	_ =	strace $0x9FFFFFFF  }
0xc3: {  	(tm) =	ssettm $0x7FFFFFFF  }
tec
execute0_lowered:
.L_overlay_start_1:
0x0: {  	(tag) =	ssettag $0x1  }
0x1: {  	s6 =	rddreg [dreg:$0x0]  }
0x2: {  	s8 =	rddreg [dreg:$0x1];
	s0 =	srdreg.scid  }
0x3: {  	s2 =	rddreg [dreg:$0x2];
	s1 =	stileid.u32  }
0x4: {  	s3 =	simm.s32 $0x0;
	s14 =	simm.s32 $0x5A00;
	s15 =	simm.s32 $0x1  }
0x5: {  	s5 =	sand.u32 $0x1, s0;
	s0 =	rddreg [dreg:$0x3];
	s7 =	smul.u32 $0xA000, s1  }
0x6: {  	[smem:$0x7FF] =	sst s3;
	s16 =	sshll.u32 s1, $0x6;
	s4 =	sshll.u32 s5, $0x4  }
0x7: {  	s9 =	smul.u32 $0xA0000, s5;
	_ =	strace $0x8000004D;
	s12 =	ssub.s32 $0x2, s5  }
0x8: {  	p0 =	seq.s32 s5, $0x0;
	s5 =	simm.s32 $0x5A;
	s16 =	sor.u32 $0x1C02, s16  }
0x9: {  	s4 =	sor.u32 s1, s4;
	s13 =	sshrl.u32 s12, $0x1;
	s5 =	simm.s32 @!p0 $0x43  }
0xa: {  	s10 =	smul.u32 $0x5A0, s4;
	s4 =	sadd.s32 $0x15E00, s6;
	s9 =	sadd.s32 s7, s9  }
0xb: {  	s12 =	ssub.s32 s12, s13;
	s13 =	simm.s32 $0x80;
	s9 =	sshrl.u32 s9, $0x3  }
0xc: {  	s11 =	sadd.s32 s10, s6;
	s9 =	sadd.s32 s9, s6;
	s6 =	sadd.s32 s7, s2  }
0xd: {  	s8 =	sadd.s32 s8, s10;
	s10 =	smax.u32 s12, $0x1;
	s12 =	simm.s32 $0x2  }
0xe: {  	v0 =	vimm.f32 $0.0e+00;
	s7 =	sadd.s32 $0xAA00, s11;
	s9 =	sadd.s32 $0x29E00, s9;
	s11 =	simm.s32 $0x7A00  }
.LBB2_1:
0xf: {  	s18 =	simm.s32 $0x100;
	s17 =	simm.s32 $0x0  }
.LBB2_2:
0x10: {  	p0 =	sne.s32 s18, $0x27F00;
	[tilespmem:s17+$0x7A30] =	vst v0;
	s19 =	smov.u32 s18;
	s18 =	sadd.s32 $0x100, s18  }
.Ltmp0:
0x11: {  	[tilespmem:s17+$0x7A20] =	vst v0;
	(pc) =	sbr.rel @p0 .LBB2_2-.Ltmp0, $3  }
0x12: {  	[tilespmem:s17+$0x7A00] =	vst v0  }
0x13: {  	[tilespmem:s17+$0x7A10] =	vst v0;
	_ =	sdelay $0x1  }
0x14: {  	s17 =	sshra.s32 s19, $0x2  }
0x15: {  	[tilespmem:s17+$0x7A30] =	vst v0  }
0x16: {  	[tilespmem:s17+$0x7A20] =	vst v0  }
0x17: {  	[tilespmem:s17+$0x7A00] =	vst v0  }
0x18: {  	[tilespmem:s17+$0x7A10] =	vst v0  }
0x19: {  	[spmem:s6] =	stream.linear.scatter [tilespmem:s11], [sflag:$0x2], $0xA000, $0x38;
	[tilespmem:$0x1BA00] =	vst v63  }
0x1a: {  	_ =	swait.ge [sflag:s12], $0xA000  }
0x1b: {  	[sflag:s12] =	ssyncset.done $0x0  }
0x1c: {  	s17 =	simm.s32 $0x0;
	[sflag:s12] =	ssyncadd.s32 $0xFFFF6000  }
0x1d: {  	[tilespmem:s17], [sflag:$0x2] =	stream.linear.gather [hbm4b:s7+s17], $0x2D00, $0x38;
	[tilespmem:$0x1BA00] =	vst v63  }
0x1e: {  	_ =	swait.ge [sflag:s12], $0x2D00  }
0x1f: {  	[sflag:s12] =	ssyncset.done $0x0  }
0x20: {  	s18 =	simm.s32 $0x2D00;
	[sflag:s12] =	ssyncadd.s32 $0xFFFFD300  }
0x21: {  	[tilespmem:s18], [sflag:$0x2] =	stream.linear.gather [hbm4b:s8+s17], $0x2D00, $0x38;
	[tilespmem:$0x1BA00] =	vst v63  }
0x22: {  	_ =	swait.ge [sflag:s12], $0x2D00  }
0x23: {  	[sflag:s12] =	ssyncset.done $0x0  }
0x24: {  	[sflag:s12] =	ssyncadd.s32 $0xFFFFD300  }
0x25: {  	[bflag:$0x0] =	sbarrier.arrive $0xFFFF  }
0x26: {  	[tilespmem:s14], [sflag:$0x1] =	stream.indirect.gather [hbm4b:s4+s13], $0x40, s17, s13, $0xb8;
	[tilespmem:$0x1BA00] =	vst v63  }
0x27: {  	p0 =	sne.s32 s5, $0x1;
	_ =	swait.ge [sflag:s15], $0x2000  }
.Ltmp1:
0x28: {  	[sflag:s15] =	ssyncset.done $0x0;
	(pc) =	sbr.rel @!p0 .LBB2_5-.Ltmp1, $4  }
0x29: {  	[sflag:s15] =	ssyncadd.s32 $0xFFFFE000  }
0x2a: {  	[spmem:s2] =	stream.indirect.scatter.add.f32 [tilespmem:s14], [sflag:$0x2], $0x40, s18, s13, $0xb8;
	[tilespmem:$0x1BA00] =	vst v63  }
0x2b: {  	_ =	swait.ge [sflag:s12], $0x2000  }
0x2c: {  	s19 =	sadd.s32 $0xFFFFFFFF, s5;
	[sflag:s12] =	ssyncset.done $0x0  }
.LBB2_4:
0x2d: {  	[sflag:s12] =	ssyncadd.s32 $0xFFFFE000;
	s17 =	sadd.s32 $0x80, s17;
	s18 =	sadd.s32 $0x80, s18  }
0x2e: {  	[tilespmem:s14], [sflag:$0x1] =	stream.indirect.gather [hbm4b:s4+s13], $0x40, s17, s13, $0xb8;
	[tilespmem:$0x1BA00] =	vst v63  }
0x2f: {  	p0 =	sne.s32 s19, $0x1;
	s19 =	sadd.s32 $0xFFFFFFFF, s19;
	_ =	swait.ge [sflag:s15], $0x2000  }
.Ltmp2:
0x30: {  	[sflag:s15] =	ssyncset.done $0x0;
	(pc) =	sbr.rel @p0 .LBB2_4-.Ltmp2, $4  }
0x31: {  	[sflag:s15] =	ssyncadd.s32 $0xFFFFE000  }
0x32: {  	[spmem:s2] =	stream.indirect.scatter.add.f32 [tilespmem:s14], [sflag:$0x2], $0x40, s18, s13, $0xb8;
	[tilespmem:$0x1BA00] =	vst v63  }
0x33: {  	_ =	swait.ge [sflag:s12], $0x2000  }
0x34: {  	[sflag:s12] =	ssyncset.done $0x0  }
.LBB2_5:
0x35: {  	s3 =	sadd.s32 $0x1, s3  }
0x36: {  	[sflag:s12] =	ssyncadd.s32 $0xFFFFE000;
	p0 =	sne.s32 s3, s10  }
.Ltmp3:
0x37: {  	s17 =	sshrl.u32 s6, $0x3;
	[bflag:$0x0] =	sbarrier.arrive $0xFFFF;
	(pc) =	sbr.rel @p0 .LBB2_1-.Ltmp3, $4  }
0x38: {  	[hbm:s9], [sflag:s16] =	dma.local [spmem:s17], $0x1400  }
0x39: {  	_ =	swait.ge [sflag:s12], $0x1400  }
0x3a: {  	[sflag:s12] =	ssyncset.done $0x0  }
0x3b: {  	[sflag:s12] =	ssyncadd.s32 $0xFFFFEC00  }
0x3c: {  	_ =	sfence.sel $0x180000  }
0x3d: {  	[bflag:$0x0] =	sbarrier.arrive $0xFFFF  }
0x3e: {  	p0 =	sne.s32 s1, $0x0;
	_ =	strace $0x9000004D  }
0x3f: {  	s0 =	sadd.s32 @!p0 $0x100000, s0;
	[bflag:$0x2] =	sbarrier.arrive $0xFFFF  }
0x40: {  	[sflag:s0] =	ssyncadd.tile.s32 @!p0 $0x1;
	_ =	shalt  }
.Lfunc_end2:
_tile_overlayer_lowered:
.L_overlay_start_2:
0x41: {  	(tag) =	ssettag $0x2  }
0x42: {  	s0 =	rddreg [dreg:$0x0];
	s2 =	stileid.u32  }
0x43: {  	s1 =	rddreg [dreg:$0x1];
	p0 =	sne.s32 s2, $0x0  }
0x44: {  	s3 =	rddreg [dreg:$0x2];
	[bflag:$0x3] =	sbarrier.arrive $0xFFFF;
	s2 =	simm.s32 @!p0 $0x1C02  }
0x45: {  	[timem:s3], [sflag:s2] =	dma.local @!p0 [hbm:s0], s1  }
0x46: {  	s0 =	simm.s32 @!p0 $0x2  }
0x47: {  	_ =	swait.ge @!p0 [sflag:s0], s1  }
0x48: {  	s1 =	ssub.s32 @!p0 $0x0, s1;
	[sflag:s0] =	ssyncset.done @!p0 $0x0  }
0x49: {  	[sflag:s0] =	ssyncadd.s32 @!p0 s1  }
0x4a: {  	[bflag:$0x3] =	sbarrier.arrive $0xFFFF  }
0x4b: {  	_ =	shalt  }

// kernel: kernel.9.cloned.1.call-start
scs
__scs_entry_jumppad:
0x0: {  	(pc) =	sbr.rel $0x88, $3  }
0x1: {  	(tag) =	ssettag $0x0;
	lr =	simm.s32 $0x1  }
0x2: {  	[smem:$0x3F9B] =	sst lr;
	_ =	strace $0xD0000000  }
0x3: {  	_ = 	snop  }
0x4: {  	_ = 	snop  }
0x5: {  	_ = 	snop  }
0x6: {  	_ = 	snop  }
0x7: {  	_ = 	snop  }
__scs_overlays_trampoline_lowered:
0x8: {  	[smem:$0x3FAA] =	sst s0  }
0x9: {  	[smem:$0x3FAB] =	sst s1  }
0xa: {  	[smem:$0x3FAC] =	sst s2  }
0xb: {  	[smem:$0x3FAD] =	sst s3  }
0xc: {  	[smem:$0x3FAE] =	sst s4  }
0xd: {  	[smem:$0x3FAF] =	sst s5  }
0xe: {  	[smem:$0x3FB0] =	sst s6  }
0xf: {  	[smem:$0x3FB1] =	sst s7  }
0x10: {  	[smem:$0x3FB2] =	sst s8  }
0x11: {  	[smem:$0x3FB3] =	sst s9;
	s0 =	simm.s32 @!p0 $0x0  }
0x12: {  	s1 =	sld [smem:$0x3F99];
	s0 =	simm.s32 @p0 $0x1  }
0x13: {  	[smem:$0x3FB4] =	sst s0;
	s0 =	simm.s32 @!p1 $0x0  }
0x14: {  	s2 =	sld [smem:$0x3F98];
	s0 =	simm.s32 @p1 $0x1  }
0x15: {  	[smem:$0x3FB5] =	sst s0;
	s0 =	simm.s32 @!p2 $0x0  }
0x16: {  	s3 =	sld [smem:$0x3FDB];
	s0 =	simm.s32 @p2 $0x1  }
0x17: {  	s4 =	simm.s32 $0x1BF5;
	[smem:$0x3FB7] =	sst s0  }
0x18: {  	s0 =	sld [smem:$0x3F9A];
	_ =	swait.ge [sflag:s4], $0x0  }
0x19: {  	s7 =	sld [smem:$0x3F9B]  }
0x1a: {  	s8 =	sadd.s32 $0xFFFFE003, lr  }
0x1b: {  	s9 =	sadd.s32 $0xFFFFFEF7, lr;
	s5 =	simm.s32 $0xFFFFFFFF;
	p2 =	slt.u32 s8, $0xFFFFF086  }
0x1c: {  	p1 =	slt.u32 s9, $0xF7A;
	s5 =	simm.s32 @!p2 $0x0  }
0x1d: {  	s5 =	simm.s32 @p1 $0x1;
	p0 =	seq.s32 s7, s2  }
0x1e: {  	s7 =	smul.u32 @!p0 $0xF7A, s2;
	p2 =	seq.s32 @!p0 s5, $0x0  }
0x1f: {  	s9 =	smul.u32 $0xF7A, s1;
	s8 =	simm.s32 @!p0 $0x1BF5;
	p2 =	por !p2, p0  }
0x20: {  	[sflag:s8] =	ssyncset.s32 @!p0 $0xFFFFF086;
	s6 =	sadd.s32 @!p0 s3, s7;
	s7 =	simm.s32 @!p0 $0x108  }
0x21: {  	s3 =	sadd.s32 s3, s9;
	s6 =	sadd.s32 @!p0 $0x88, s6;
	s7 =	simm.s32 @p2 $0x1082  }
0x22: {  	[simem:s7], [sflag:s8] =	dma.local @!p0 [hbm:s6], $0xF7A  }
0x23: {  	s9 =	sor.u32 $0xD0000000, s2;
	s6 =	simm.s32 $0x108;
	_ =	swait.ge @!p0 [sflag:s8], $0x0  }
0x24: {  	s3 =	sadd.s32 $0x88, s3;
	s6 =	simm.s32 @!p1 $0x1082;
	[sflag:s4] =	ssyncset.s32 $0xFFFFF086  }
0x25: {  	[simem:s6], [sflag:s4] =	dma.local [hbm:s3], $0xF7A  }
0x26: {  	[smem:$0x3F9B] =	sst s1;
	(tag) =	ssettag s2;
	_ =	strace s9  }
0x27: {  	s1 =	sld [smem:$0x3FAB]  }
0x28: {  	s2 =	sld [smem:$0x3FAC]  }
0x29: {  	s4 =	sld [smem:$0x3FAE]  }
0x2a: {  	p0 =	seq.s32 s5, $0x0;
	s5 =	sld [smem:$0x3FAF]  }
0x2b: {  	s6 =	sld [smem:$0x3FB0]  }
0x2c: {  	s7 =	sld [smem:$0x3FB1]  }
0x2d: {  	s3 =	simm.s32 $0x108;
	s8 =	sld [smem:$0x3FB2]  }
0x2e: {  	s3 =	simm.s32 @!p0 $0x1082;
	s9 =	sld [smem:$0x3FB3]  }
0x2f: {  	lr =	sadd.s32 s0, s3;
	s0 =	sld [smem:$0x3FAA]  }
0x30: {  	s3 =	sld [smem:$0x3FAD]  }
0x31: {  	[smem:$0x3FB6] =	sst s10  }
0x32: {  	s10 =	sld [smem:$0x3FB4];
	_ =	sdelay $0x3  }
0x33: {  	p0 =	seq.s32 s10, $0x1;
	s10 =	sld [smem:$0x3FB6];
	_ =	sdelay $0x3  }
0x34: {  	[smem:$0x3FB6] =	sst s10  }
0x35: {  	s10 =	sld [smem:$0x3FB5];
	_ =	sdelay $0x3  }
0x36: {  	p1 =	seq.s32 s10, $0x1;
	s10 =	sld [smem:$0x3FB6];
	_ =	sdelay $0x3  }
0x37: {  	[smem:$0x3FB6] =	sst s10  }
0x38: {  	s10 =	sld [smem:$0x3FB7]  }
0x39: {  	_ = 	snop;
	(pc) =	sbr.ind lr, $3  }
0x3a: {  	_ = 	snop  }
0x3b: {  	_ = 	snop  }
0x3c: {  	p2 =	seq.s32 s10, $0x1;
	s10 =	sld [smem:$0x3FB6]  }
0x3d: {  	_ =	shalt  }
0x3e: {  	_ =	shalt  }
0x3f: {  	_ =	shalt  }
0x40: {  	_ =	shalt  }
0x41: {  	_ =	shalt  }
0x42: {  	_ =	shalt  }
0x43: {  	_ =	shalt  }
0x44: {  	_ =	shalt  }
0x45: {  	_ =	shalt  }
0x46: {  	_ =	shalt  }
0x47: {  	_ =	shalt  }
0x48: {  	_ =	shalt  }
0x49: {  	_ =	shalt  }
0x4a: {  	_ =	shalt  }
0x4b: {  	_ =	shalt  }
0x4c: {  	_ =	shalt  }
0x4d: {  	_ =	shalt  }
0x4e: {  	_ =	shalt  }
0x4f: {  	_ =	shalt  }
0x50: {  	_ =	shalt  }
0x51: {  	_ =	shalt  }
0x52: {  	_ =	shalt  }
0x53: {  	_ =	shalt  }
0x54: {  	_ =	shalt  }
0x55: {  	_ =	shalt  }
0x56: {  	_ =	shalt  }
0x57: {  	_ =	shalt  }
0x58: {  	_ =	shalt  }
0x59: {  	_ =	shalt  }
0x5a: {  	_ =	shalt  }
0x5b: {  	_ =	shalt  }
0x5c: {  	_ =	shalt  }
0x5d: {  	_ =	shalt  }
0x5e: {  	_ =	shalt  }
0x5f: {  	_ =	shalt  }
0x60: {  	_ =	shalt  }
0x61: {  	_ =	shalt  }
0x62: {  	_ =	shalt  }
0x63: {  	_ =	shalt  }
0x64: {  	_ =	shalt  }
0x65: {  	_ =	shalt  }
0x66: {  	_ =	shalt  }
0x67: {  	_ =	shalt  }
0x68: {  	_ =	shalt  }
0x69: {  	_ =	shalt  }
0x6a: {  	_ =	shalt  }
0x6b: {  	_ =	shalt  }
0x6c: {  	_ =	shalt  }
0x6d: {  	_ =	shalt  }
0x6e: {  	_ =	shalt  }
0x6f: {  	_ =	shalt  }
0x70: {  	_ =	shalt  }
0x71: {  	_ =	shalt  }
0x72: {  	_ =	shalt  }
0x73: {  	_ =	shalt  }
0x74: {  	_ =	shalt  }
0x75: {  	_ =	shalt  }
0x76: {  	_ =	shalt  }
0x77: {  	_ =	shalt  }
0x78: {  	_ =	shalt  }
0x79: {  	_ =	shalt  }
0x7a: {  	_ =	shalt  }
0x7b: {  	_ =	shalt  }
0x7c: {  	_ =	shalt  }
0x7d: {  	_ =	shalt  }
0x7e: {  	_ =	shalt  }
0x7f: {  	_ =	shalt  }
0x80: {  	_ =	shalt  }
0x81: {  	_ =	shalt  }
0x82: {  	_ =	shalt  }
0x83: {  	_ =	shalt  }
0x84: {  	_ =	shalt  }
0x85: {  	_ =	shalt  }
0x86: {  	_ =	shalt  }
0x87: {  	_ =	shalt  }
.Lfunc_end0:
.L_simem_size_0:
called_computation_lowered:
.L_overlay_start_0:
0x88: {  	s2 =	sld [smem:$0x3FD9]  }
0x89: {  	s3 =	sld [smem:$0x3FFE];
	_ =	sdelay $0x1  }
0x8a: {  	s1 =	srdreg.scid  }
0x8b: {  	s0 =	sand.u32 $0x1, s1  }
0x8c: {  	s17 =	sshll.u32 s0, $0xA;
	s2 =	sadd.s32 s3, s2  }
0x8d: {  	s2 =	sadd.s32 s2, s17  }
0x8e: {  	[smem:$0x3FC2] =	sst s2  }
0x8f: {  	_ = 	snop  }
0x90: {  	s2 =	sld [smem:$0x3FD0];
	(tm) =	ssettm $0x1  }
0x91: {  	s18 =	sld [smem:$0x3FFB];
	_ =	sdelay $0x3  }
0x92: {  	_ =	strace s18  }
0x93: {  	s3 =	sld [smem:$0x3FFC];
	_ =	sdelay $0x3  }
0x94: {  	_ =	strace s3  }
0x95: {  	s3 =	sld [smem:$0x3FFD];
	_ =	sdelay $0x3  }
0x96: {  	_ =	strace s3  }
0x97: {  	_ =	strace $0x8FFFFFFF  }
0x98: {  	s19 =	sld [smem:$0x3FDB];
	_ =	sdelay $0x1  }
0x99: {  	s4 =	simm.s32 $_scs_section_size  }
0x9a: {  	s5 =	simm.s32 $_size__tile_overlayer_lowered;
	s6 =	simm.s32 $_tile_overlayer_lowered  }
0x9b: {  	s22 =	simm.s32 $0x1BFF;
	s21 =	sshll.u32 s6, $0x1;
	s3 =	sadd.s32 s4, s19  }
0x9c: {  	s7 =	simm.s32 $0x0;
	s20 =	sshll.u32 s5, $0x1;
	s5 =	sadd.s32 s21, s3  }
0x9d: {  	[timem:s7], [sflag:s22] =	dma.local [hbm:s5], s20  }
0x9e: {  	_ =	swait.ge [sflag:s22], s20  }
0x9f: {  	s4 =	ssub.s32 $0x0, s20;
	[sflag:s22] =	ssyncset.done $0x0  }
0xa0: {  	[sflag:s22] =	ssyncadd.s32 s4;
	_ =	sdelay $0x1  }
0xa1: {  	s23 =	simm.s32 $0x1B8B  }
0xa2: {  	_ =	swait.ge [sflag:s23], $0x1  }
0xa3: {  	[sflag:s23] =	ssyncset.done $0x0  }
0xa4: {  	s25 =	simm.s32 $0x1B8E;
	s24 =	sld [smem:$0x3FFE];
	[sflag:s23] =	ssyncadd.s32 $0xFFFFFFFF  }
0xa5: {  	s26 =	simm.s32 $execute0_lowered;
	[smem:$0x3FD2] =	sst s25  }
0xa6: {  	s5 =	sshll.u32 s26, $0x1;
	_ =	strace $0x80000046;
	[dreg:$0x1] =	wrdreg $0xFFFFFFFF  }
0xa7: {  	s28 =	simm.s32 $_size_execute0_lowered;
	s3 =	sadd.s32 s3, s5;
	[dreg:$0x0] =	wrdreg $0x0  }
0xa8: {  	s5 =	sshll.u32 s28, $0x1;
	[dreg:$0x2] =	wrdreg s3  }
0xa9: {  	[dreg:$0x3] =	wrdreg s5  }
0xaa: {  	[dreg:$0x4] =	wrdreg $0xC0  }
0xab: {  	_ =	task [dreg:s7], $0x5FFFF  }
0xac: {  	[dreg:$0x1] =	wrdreg $0xFFFFFFFF  }
0xad: {  	[dreg:$0x0] =	wrdreg $0x60  }
0xae: {  	[dreg:$0x2] =	wrdreg s2  }
0xaf: {  	[dreg:$0x3] =	wrdreg s24  }
0xb0: {  	[dreg:$0x4] =	wrdreg $0x9  }
0xb1: {  	_ =	task.clear_ibuf [dreg:s7], $0x5FFFF;
	_ =	strace $0x90000046  }
0xb2: {  	s29 =	simm.s32 $0x9;
	_ =	strace $0x80000048  }
0xb3: {  	_ =	swait.ge [sflag:s29], $0x1  }
0xb4: {  	[sflag:s29] =	ssyncadd.s32 $0xFFFFFFFF  }
0xb5: {  	_ =	strace $0x90000048  }
0xb6: {  	_ =	sfence  }
0xb7: {  	s30 =	sld [smem:$0x0];
	_ =	sdelay $0x2  }
0xb8: {  	s31 =	sshll.u32 s1, $0xD;
	s1 =	sshrl.u32 s1, $0x2  }
0xb9: {  	s3 =	sand.u32 $0x4000, s31;
	s1 =	sadd.s32 s1, s30  }
0xba: {  	s0 =	sor.u32 s3, s0;
	s1 =	sshll.u32 s1, $0x11  }
0xbb: {  	s0 =	sor.u32 s1, s0  }
0xbc: {  	s0 =	sadd.s32 $0x8F2B, s0  }
0xbd: {  	[sflag:s0] =	ssyncadd.remote.s32 $0x1  }
0xbe: {  	_ =	sfence.sel $0xFFFF  }
0xbf: {  	[dreg:$0x0] =	wrdreg $0xFFFFFFFF;
	(pc) =	sbr.abs _section_cstart, $3  }
0xc0: {  	[dreg:$0x1] =	wrdreg $0xFFFFFFFF  }
0xc1: {  	_ =	task.clear_ibuf [dreg:s7], $0x2FFFF;
	_ =	strace $0x9FFFFFFF  }
0xc2: {  	(tm) =	ssettm $0x7FFFFFFF  }
0xc3: {  	_ =	shalt  }
tec
execute0_lowered:
.L_overlay_start_1:
0x0: {  	(tag) =	ssettag $0x1  }
0x1: {  	s4 =	rddreg [dreg:$0x0]  }
0x2: {  	s5 =	rddreg [dreg:$0x1];
	s1 =	srdreg.scid  }
0x3: {  	s0 =	rddreg [dreg:$0x2];
	s3 =	sand.u32 $0x1, s1  }
0x4: {  	s2 =	simm.s32 $0x0;
	s1 =	stileid.u32;
	s6 =	sshll.u32 s3, $0x4  }
0x5: {  	[smem:$0x7FF] =	sst s2;
	s7 =	ssub.s32 $0x2, s3;
	s6 =	sor.u32 s1, s6  }
0x6: {  	_ =	strace $0x80000047;
	p0 =	seq.s32 s3, $0x0;
	s8 =	smul.u32 $0x500, s6  }
0x7: {  	s3 =	simm.s32 $0x5A;
	s9 =	sshrl.u32 s7, $0x1;
	s6 =	smul.u32 $0x5A0, s6  }
0x8: {  	s3 =	simm.s32 @!p0 $0x43;
	s7 =	ssub.s32 s7, s9;
	s9 =	simm.s32 $0x0  }
0x9: {  	s5 =	sadd.s32 s8, s5;
	s4 =	sadd.s32 s4, s6;
	s6 =	smax.u32 s7, $0x1  }
0xa: {  	v0 =	vimm.f32 $0.0e+00;
	v1 =	vimm.f32 $1.000000000e+00;
	s7 =	simm.s32 $0x1;
	s8 =	simm.s32 $0x2D00;
	s5 =	sadd.s32 $0xA00, s5  }
.LBB2_1:
0xb: {  	[tilespmem:s2], [sflag:$0x1] =	stream.linear.gather [hbm4b:s4+s2], $0x2D00, $0x38;
	[tilespmem:$0x5500] =	vst v63  }
0xc: {  	_ =	swait.ge [sflag:s7], $0x2D00  }
0xd: {  	[sflag:s7] =	ssyncset.done $0x0  }
0xe: {  	s10 =	simm.s32 $0x0;
	[sflag:s7] =	ssyncadd.s32 $0xFFFFD300  }
.LBB2_2:
0xf: {  	p0 =	sne.s32 s10, $0x9FC0  }
.Ltmp0:
0x10: {  	_ = 	snop;
	(pc) =	sbr.rel @p0 .LBB2_2-.Ltmp0, $3  }
0x11: {  	_ =	sdelay $0x1  }
0x12: {  	s11 =	sshra.s32 s10, $0x2  }
0x13: {  	s10 =	sadd.s32 $0x40, s10;
	[tilespmem:s11+$0x2D00] =	vst v0  }
0x14: {  	s10 =	simm.s32 $0x40;
	s11 =	smov.u32 s3  }
.LBB2_4:
0x15: {  	v2 =	vld [tilespmem:s10+$0xFFFFFFC0];
	_ =	sdelay $0x7  }
0x16: {  	[tilespmem:v2+s8+$0x0] =	vst.idx.add.f32.msk $0xffff, v1  }
0x17: {  	v2 =	vld [tilespmem:s10+$0xFFFFFFD0];
	_ =	sdelay $0x7  }
0x18: {  	[tilespmem:v2+s8+$0x0] =	vst.idx.add.f32.msk $0xffff, v1  }
0x19: {  	v2 =	vld [tilespmem:s10+$0xFFFFFFE0];
	_ =	sdelay $0x7  }
0x1a: {  	[tilespmem:v2+s8+$0x0] =	vst.idx.add.f32.msk $0xffff, v1  }
0x1b: {  	v2 =	vld [tilespmem:s10+$0xFFFFFFF0];
	_ =	sdelay $0x7  }
0x1c: {  	[tilespmem:v2+s8+$0x0] =	vst.idx.add.f32.msk $0xffff, v1  }
0x1d: {  	v2 =	vld [tilespmem:s10+$0x0];
	_ =	sdelay $0x7  }
0x1e: {  	[tilespmem:v2+s8+$0x0] =	vst.idx.add.f32.msk $0xffff, v1  }
0x1f: {  	v2 =	vld [tilespmem:s10+$0x10];
	_ =	sdelay $0x7  }
0x20: {  	[tilespmem:v2+s8+$0x0] =	vst.idx.add.f32.msk $0xffff, v1  }
0x21: {  	v2 =	vld [tilespmem:s10+$0x20];
	_ =	sdelay $0x7  }
0x22: {  	[tilespmem:v2+s8+$0x0] =	vst.idx.add.f32.msk $0xffff, v1  }
0x23: {  	v2 =	vld [tilespmem:s10+$0x30];
	_ =	sdelay $0x2  }
0x24: {  	p0 =	sne.s32 s11, $0x1  }
.Ltmp1:
0x25: {  	_ = 	snop;
	(pc) =	sbr.rel @p0 .LBB2_4-.Ltmp1, $2  }
0x26: {  	_ =	sdelay $0x2  }
0x27: {  	s11 =	sadd.s32 $0xFFFFFFFF, s11;
	s10 =	sadd.s32 $0x80, s10;
	[tilespmem:v2+s8+$0x0] =	vst.idx.add.f32.msk $0xffff, v1  }
0x28: {  	s9 =	sadd.s32 $0x1, s9  }
0x29: {  	p0 =	sne.s32 s9, s6  }
.Ltmp2:
0x2a: {  	_ = 	snop;
	(pc) =	sbr.rel @p0 .LBB2_1-.Ltmp2, $4  }
0x2b: {  	[hbm4b:s5+s2] =	stream.linear.scatter [tilespmem:s8], [sflag:$0x1], $0x2800, $0x38;
	[tilespmem:$0x5500] =	vst v63  }
0x2c: {  	_ =	swait.ge [sflag:s7], $0x2800  }
0x2d: {  	[sflag:s7] =	ssyncset.done $0x0  }
0x2e: {  	[sflag:s7] =	ssyncadd.s32 $0xFFFFD800  }
0x2f: {  	_ =	sfence.sel $0x180000  }
0x30: {  	[bflag:$0x0] =	sbarrier.arrive $0xFFFF  }
0x31: {  	p0 =	sne.s32 s1, $0x0;
	_ =	strace $0x90000047  }
0x32: {  	s0 =	sadd.s32 @!p0 $0x100000, s0;
	[bflag:$0x2] =	sbarrier.arrive $0xFFFF  }
0x33: {  	[sflag:s0] =	ssyncadd.tile.s32 @!p0 $0x1;
	_ =	shalt  }
.Lfunc_end2:
_tile_overlayer_lowered:
.L_overlay_start_2:
0x34: {  	(tag) =	ssettag $0x2  }
0x35: {  	s0 =	rddreg [dreg:$0x0];
	s2 =	stileid.u32  }
0x36: {  	s1 =	rddreg [dreg:$0x1];
	p0 =	sne.s32 s2, $0x0  }
0x37: {  	s3 =	rddreg [dreg:$0x2];
	[bflag:$0x3] =	sbarrier.arrive $0xFFFF;
	s2 =	simm.s32 @!p0 $0x1C01  }
0x38: {  	[timem:s3], [sflag:s2] =	dma.local @!p0 [hbm:s0], s1  }
0x39: {  	s0 =	simm.s32 @!p0 $0x1  }
0x3a: {  	_ =	swait.ge @!p0 [sflag:s0], s1  }
0x3b: {  	s1 =	ssub.s32 @!p0 $0x0, s1;
	[sflag:s0] =	ssyncset.done @!p0 $0x0  }
0x3c: {  	[sflag:s0] =	ssyncadd.s32 @!p0 s1  }
0x3d: {  	[bflag:$0x3] =	sbarrier.arrive $0xFFFF  }
0x3e: {  	_ =	shalt  }

</sc_bundles>
